<compile_context>
chip_gen: v7x
topology: tpu7x:2x2x1
jax: 0.10.2.dev20260603
libtpu: 0.0.44.dev20260713+nightly
codegen_flags: <defaults>
</compile_context>

<pallas_src>
import functools

import jax
import jax.numpy as jnp
from jax import lax
from jax.experimental import pallas as pl
from jax.experimental.pallas import tpu as pltpu
from jax.experimental.pallas import tpu_sc as plsc

D_MODEL = 1024
MAX_SEQ = 8192
SEP_ID = 102
S = 1024
WR = S + 16

B = 4
NB = MAX_SEQ // S
SC_CORES = 1
WPR = 4
CHUNK = MAX_SEQ // WPR
KB = CHUNK // S


def _splat_sum(vec, red_v):
    idx = lax.iota(jnp.int32, 16)
    for k in (8, 4, 2, 1):
        red_v[...] = vec
        vec = vec + plsc.load_gather(red_v, [jnp.bitwise_xor(idx, k)])
    return vec


def _sc_meta_body(tok_hbm, meta_hbm,
                  tok_v, allt_v, stage_v, red_v, mst_v, totals_sh):
    s = lax.axis_index("s")
    row = s // WPR
    cid = s % WPR
    goff = row * MAX_SEQ + cid * CHUNK

    pltpu.sync_copy(tok_hbm.at[pl.ds(goff, CHUNK)], tok_v)

    ones16 = jnp.ones((16,), jnp.int32)
    zeros16 = jnp.zeros((16,), jnp.int32)

    bsum = []
    for k in range(KB):
        acc = zeros16
        for i in range(S // 16):
            v = tok_v[pl.ds((k * (S // 16) + i) * 16, 16)]
            acc = acc + jnp.where(v == SEP_ID, ones16, zeros16)
        bsum.append(_splat_sum(acc, red_v))
    total = bsum[0]
    for k in range(1, KB):
        total = total + bsum[k]

    stage_v[...] = total
    pltpu.sync_copy(stage_v, totals_sh.at[pl.ds(s * 16, 16)])
    plsc.subcore_barrier()
    pltpu.sync_copy(totals_sh, allt_v)
    pref = zeros16
    srow0 = (s // WPR) * WPR
    for i in range(WPR):
        vr = allt_v[pl.ds((srow0 + i) * 16, 16)]
        iv = jnp.full((16,), i, jnp.int32)
        pref = pref + jnp.where(iv < cid, vr, zeros16)

    basev, cntv = [], []
    prev = pref
    for k in range(KB):
        basev.append(prev)
        cntv.append(bsum[k])
        prev = prev + bsum[k]
    w0v = [jnp.right_shift(jnp.minimum(bv, MAX_SEQ - 64), 5) for bv in basev]
    p8v = [jnp.right_shift(jnp.minimum(bv, MAX_SEQ - 1), 3) for bv in basev]
    for q, vecs in enumerate((basev, cntv, w0v, p8v)):
        for k in range(KB):
            mst_v[pl.ds(k * 16, 16)] = vecs[k]
        moff = ((q * B + row) * NB + cid * KB) * 16
        pltpu.sync_copy(mst_v, meta_hbm.at[pl.ds(moff, KB * 16)])


def _segment_meta(tokens):
    mesh = plsc.VectorSubcoreMesh(core_axis_name="c", subcore_axis_name="s",
                                  num_cores=SC_CORES)
    run = functools.partial(
        pl.kernel,
        out_type=jax.ShapeDtypeStruct((4 * B * NB * 16,), jnp.int32),
        mesh=mesh,
        compiler_params=pltpu.CompilerParams(needs_layout_passes=False),
        scratch_types=[
            pltpu.VMEM((CHUNK,), jnp.int32),
            pltpu.VMEM((16 * 16,), jnp.int32),
            pltpu.VMEM((16,), jnp.int32),
            pltpu.VMEM((16,), jnp.int32),
            pltpu.VMEM((KB * 16,), jnp.int32),
            pltpu.VMEM_SHARED((16 * 16,), jnp.int32),
        ],
    )(_sc_meta_body)
    meta = run(tokens.reshape(-1))
    return meta.reshape(4, B, NB, 16)


def _main_kernel(meta_ref, x_ref, tok_ref, pe8_ref, peA_ref, peB_ref,
                 peany_ref, o_ref, wscr, dsem):
    b = pl.program_id(0)
    j = pl.program_id(1)
    base = meta_ref[0, b, j, 0]
    cnt = meta_ref[1, b, j, 0]
    w0 = meta_ref[2, b, j, 0]
    p8i = meta_ref[3, b, j, 0]
    xb = x_ref[0]

    @pl.when(cnt == 0)
    def _fast():
        off = jnp.minimum(base, MAX_SEQ - 1) - 8 * p8i
        sel = (jax.lax.broadcasted_iota(jnp.int32, (8, 1), 0)
               == off).astype(jnp.float32)
        row = jnp.sum(pe8_ref[...] * sel, axis=0, keepdims=True)
        o_ref[0] = xb + row

    def _pos_c():
        m = (tok_ref[0, 0] == SEP_ID).astype(jnp.int32)
        acc = m
        k = 1
        while k < S:
            acc = acc + jnp.concatenate(
                [jnp.zeros((1, k), jnp.int32), acc[:, :-k]], axis=1)
            k *= 2
        return jnp.minimum(base + acc, MAX_SEQ - 1)

    def _onehot_dot(w, r, nrows):
        oh = (jax.lax.broadcasted_iota(jnp.int32, (nrows, S), 0)
              == jnp.broadcast_to(r, (nrows, S))).astype(jnp.float32)
        return jax.lax.dot_general(oh, w, (((0,), (0,)), ((), ())),
                                   preferred_element_type=jnp.float32)

    @pl.when(jnp.logical_and(cnt > 0, cnt <= 32))
    def _small():
        r = _pos_c() - 32 * w0
        y = (_onehot_dot(peA_ref[...], r, 32)
             + _onehot_dot(peB_ref[...], r - 32, 32))
        o_ref[0] = xb + y

    @pl.when(cnt > 32)
    def _full():
        base8 = (jnp.minimum(base, MAX_SEQ - WR) // 8) * 8
        cp = pltpu.make_async_copy(
            peany_ref.at[pl.ds(base8, WR), :], wscr, dsem)
        cp.start()
        cp.wait()
        r = _pos_c() - base8
        o_ref[0] = xb + _onehot_dot(wscr[...], r, WR)


@jax.jit
def kernel(x, tokens, pe):
    meta = _segment_meta(tokens)
    tok4 = tokens.reshape(B, NB, 1, S)
    pe2 = pe[0]
    grid_spec = pltpu.PrefetchScalarGridSpec(
        num_scalar_prefetch=1,
        grid=(B, NB),
        in_specs=[
            pl.BlockSpec((1, S, D_MODEL), lambda b, j, m: (b, j, 0)),
            pl.BlockSpec((1, 1, 1, S), lambda b, j, m: (b, j, 0, 0)),
            pl.BlockSpec((8, D_MODEL), lambda b, j, m: (m[3, b, j, 0], 0)),
            pl.BlockSpec((32, D_MODEL), lambda b, j, m: (m[2, b, j, 0], 0)),
            pl.BlockSpec((32, D_MODEL),
                         lambda b, j, m: (m[2, b, j, 0] + 1, 0)),
            pl.BlockSpec(memory_space=pl.ANY),
        ],
        out_specs=pl.BlockSpec((1, S, D_MODEL), lambda b, j, m: (b, j, 0)),
        scratch_shapes=[
            pltpu.VMEM((WR, D_MODEL), jnp.float32),
            pltpu.SemaphoreType.DMA,
        ],
    )
    out = pl.pallas_call(
        _main_kernel,
        grid_spec=grid_spec,
        compiler_params=pltpu.CompilerParams(
            dimension_semantics=("parallel", "arbitrary")),
        out_shape=jax.ShapeDtypeStruct((B, MAX_SEQ, D_MODEL), jnp.float32),
    )(meta, x, tok4, pe2, pe2, pe2, pe2)
    return out

# --- scband reference (transcript-rebuilt; emitter-appended) ---
"""Pipeline reference for scband-positional-encoding-17660905521571 (READ-ONLY COPY).

The authoritative reference and input builder live on the scoring server;
editing this copy changes nothing except your own understanding.
"""

import jax, jax.numpy as jnp
import numpy as np

D_MODEL = 1024
MAX_SEQ = 8192
SEP_ID = 102  # stands in for tk2num['<SEP>'] in the original module


def make_pe():
    pe = np.zeros((MAX_SEQ, D_MODEL), dtype=np.float32)
    position = np.arange(0, MAX_SEQ, dtype=np.float32)[:, None]
    div_term = np.exp(np.arange(0, D_MODEL, 2).astype(np.float32) * -(np.log(10000.0) / D_MODEL))
    pe[:, 0::2] = np.sin(position * div_term)
    pe[:, 1::2] = np.cos(position * div_term)
    return jnp.asarray(pe)[None, :, :]  # [1, MAX_SEQ, D_MODEL]


def setup_inputs(seed: int = 0) -> dict:
    key = jax.random.key(seed)
    k1, k2 = jax.random.split(key)
    x = jax.random.normal(k1, (4, 8192, D_MODEL), dtype=jnp.float32)
    tokens = jax.random.randint(k2, (4, 8192), 0, 1000, dtype=jnp.int32)
    pe = make_pe()
    return {"x": x, "tokens": tokens, "pe": pe}


def reference(x, tokens, pe):
    # position(t): res[sep:] = i+1 for i-th SEP occurrence == inclusive cumsum of (t == SEP_ID)
    pos = jnp.cumsum((tokens == SEP_ID).astype(jnp.int32), axis=-1)  # [B, L]
    # gather rows of the positional table per computed segment position
    return x + pe[0][pos, :]

if __name__ == "__main__":
    import jax
    _d = setup_inputs()
    print(jax.jit(kernel)(*tuple(_d.values())))

</pallas_src>

<mosaic_0001>
#map = affine_map<(d0, d1) -> (0)>
module attributes {stable_mosaic.version = 14 : i64} {
  func.func @_sc_meta_body(%arg0: i32, %arg1: i32, %arg2: memref<32768xi32, #tpu.memory_space<hbm>>, %arg3: memref<2048xi32, #tpu.memory_space<hbm>>, %arg4: memref<2048xi32, #tpu.memory_space<vmem>>, %arg5: memref<256xi32, #tpu.memory_space<vmem>>, %arg6: memref<16xi32, #tpu.memory_space<vmem>>, %arg7: memref<16xi32, #tpu.memory_space<vmem>>, %arg8: memref<32xi32, #tpu.memory_space<vmem>>, %arg9: memref<256xi32, #tpu.memory_space<vmem_shared>>) attributes {dimension_semantics = [#tpu.dimension_semantics<core_parallel>, #tpu.dimension_semantics<subcore_parallel>], iteration_bounds = array<i64: 1, 16>, scalar_prefetch = 0 : i64, scratch_operands = 6 : i64, tpu.core_type = #tpu.core_type<sc_vector_subcore>, window_params = [{transform_indices = #map}, {transform_indices = #map}]} {
    %jit3A = arith.constant 4 : i32
    %div3A = arith.divsi %arg1, %jit3A : i32
    %sign3A = arith.constant 0 : i32
    %sign3A_0 = arith.cmpi sgt, %arg1, %sign3A : i32
    %sign3A_1 = arith.extui %sign3A_0 : i1 to i32
    %sign3A_2 = arith.constant 0 : i32
    %sign3A_3 = arith.cmpi slt, %arg1, %sign3A_2 : i32
    %sign3A_4 = arith.extui %sign3A_3 : i1 to i32
    %sign3A_5 = arith.subi %sign3A_1, %sign3A_4 : i32
    %sign3A_6 = arith.constant 0 : i32
    %sign3A_7 = arith.cmpi sgt, %jit3A, %sign3A_6 : i32
    %sign3A_8 = arith.extui %sign3A_7 : i1 to i32
    %sign3A_9 = arith.constant 0 : i32
    %sign3A_10 = arith.cmpi slt, %jit3A, %sign3A_9 : i32
    %sign3A_11 = arith.extui %sign3A_10 : i1 to i32
    %sign3A_12 = arith.subi %sign3A_8, %sign3A_11 : i32
    %ne3A = arith.cmpi ne, %sign3A_5, %sign3A_12 : i32
    %rem3A = arith.remsi %arg1, %jit3A : i32
    %ne3A_13 = arith.constant 0 : i32
    %ne3A_14 = arith.cmpi ne, %rem3A, %ne3A_13 : i32
    %and3A = arith.andi %ne3A, %ne3A_14 : i1
    %sub3A = arith.constant 1 : i32
    %sub3A_15 = arith.subi %div3A, %sub3A : i32
    %select_n3A = arith.select %and3A, %sub3A_15, %div3A : i32
    %jit3A_16 = arith.constant 4 : i32
    %eq3A = arith.constant 0 : i32
    %eq3A_17 = arith.cmpi eq, %jit3A_16, %eq3A : i32
    %jit3A_18 = arith.constant 1 : i32
    %select_n3A_19 = arith.select %eq3A_17, %jit3A_18, %jit3A_16 : i32
    %rem3A_20 = arith.remsi %arg1, %select_n3A_19 : i32
    %ne3A_21 = arith.constant 0 : i32
    %ne3A_22 = arith.cmpi ne, %rem3A_20, %ne3A_21 : i32
    %lt3A = arith.constant 0 : i32
    %lt3A_23 = arith.cmpi slt, %rem3A_20, %lt3A : i32
    %lt3A_24 = arith.constant 0 : i32
    %lt3A_25 = arith.cmpi slt, %select_n3A_19, %lt3A_24 : i32
    %ne3A_26 = arith.xori %lt3A_23, %lt3A_25 : i1
    %and3A_27 = arith.andi %ne3A_26, %ne3A_22 : i1
    %add3A = arith.addi %rem3A_20, %select_n3A_19 : i32
    %select_n3A_28 = arith.select %and3A_27, %add3A, %rem3A_20 : i32
    %mul3A = arith.constant 8192 : i32
    %mul3A_29 = arith.muli %select_n3A, %mul3A : i32
    %mul3A_30 = arith.constant 2048 : i32
    %mul3A_31 = arith.muli %select_n3A_28, %mul3A_30 : i32
    %add3A_32 = arith.addi %mul3A_29, %mul3A_31 : i32
    "tpu.region"() ({
      %run_scoped3A = tpu.sem_alloc : memref<!tpu.dma_semaphore, #tpu.memory_space<semaphore_mem>>
      %dma_start3A = tpu.memref_slice %arg2[%add3A_32] : memref<32768xi32, #tpu.memory_space<hbm>> -> memref<2048xi32, #tpu.memory_space<hbm>>
      %dma_start3A_1140 = tpu.memref_slice %arg2[%add3A_32] : memref<32768xi32, #tpu.memory_space<hbm>> -> memref<2048xi32, #tpu.memory_space<hbm>>
      tpu.enqueue_dma source(%dma_start3A_1140 : memref<2048xi32, #tpu.memory_space<hbm>>) target(%arg4 : memref<2048xi32, #tpu.memory_space<vmem>>) target_semaphore(%run_scoped3A : memref<!tpu.dma_semaphore, #tpu.memory_space<semaphore_mem>>)
      %dma_wait3A = tpu.memref_slice %arg2[%add3A_32] : memref<32768xi32, #tpu.memory_space<hbm>> -> memref<2048xi32, #tpu.memory_space<hbm>>
      %dma_wait3A_1141 = tpu.memref_slice %arg2[%add3A_32] : memref<32768xi32, #tpu.memory_space<hbm>> -> memref<2048xi32, #tpu.memory_space<hbm>>
      tpu.wait_dma2 semaphore(%run_scoped3A : memref<!tpu.dma_semaphore, #tpu.memory_space<semaphore_mem>>) src(%dma_wait3A_1141 : memref<2048xi32, #tpu.memory_space<hbm>>) dst(%arg4 : memref<2048xi32, #tpu.memory_space<vmem>>)
      tpu.yield
    }) : () -> ()
    %broadcast_in_dim3A = arith.constant 1 : i32
    %broadcast_in_dim3A_33 = vector.broadcast %broadcast_in_dim3A : i32 to vector<16xi32>
    %broadcast_in_dim3A_34 = arith.constant 0 : i32
    %broadcast_in_dim3A_35 = vector.broadcast %broadcast_in_dim3A_34 : i32 to vector<16xi32>
    %get3A = arith.constant 0 : index
    %get3A_36 = tpu.vector_load %arg4[%get3A] {strides = array<i32>} : memref<2048xi32, #tpu.memory_space<vmem>>, vector<16xi32>,
    %eq3A_37 = arith.constant 102 : i32
    %eq3A_38 = vector.broadcast %eq3A_37 : i32 to vector<16xi32>
    %eq3A_39 = arith.cmpi eq, %get3A_36, %eq3A_38 : vector<16xi32>
    %select_n3A_40 = arith.select %eq3A_39, %broadcast_in_dim3A_33, %broadcast_in_dim3A_35 : vector<16xi1>, vector<16xi32>
    %add3A_41 = arith.addi %broadcast_in_dim3A_35, %select_n3A_40 : vector<16xi32>
    %get3A_42 = arith.constant 16 : index
    %get3A_43 = tpu.vector_load %arg4[%get3A_42] {strides = array<i32>} : memref<2048xi32, #tpu.memory_space<vmem>>, vector<16xi32>,
    %eq3A_44 = arith.constant 102 : i32
    %eq3A_45 = vector.broadcast %eq3A_44 : i32 to vector<16xi32>
    %eq3A_46 = arith.cmpi eq, %get3A_43, %eq3A_45 : vector<16xi32>
    %select_n3A_47 = arith.select %eq3A_46, %broadcast_in_dim3A_33, %broadcast_in_dim3A_35 : vector<16xi1>, vector<16xi32>
    %add3A_48 = arith.addi %add3A_41, %select_n3A_47 : vector<16xi32>
    %get3A_49 = arith.constant 32 : index
    %get3A_50 = tpu.vector_load %arg4[%get3A_49] {strides = array<i32>} : memref<2048xi32, #tpu.memory_space<vmem>>, vector<16xi32>,
    %eq3A_51 = arith.constant 102 : i32
    %eq3A_52 = vector.broadcast %eq3A_51 : i32 to vector<16xi32>
    %eq3A_53 = arith.cmpi eq, %get3A_50, %eq3A_52 : vector<16xi32>
    %select_n3A_54 = arith.select %eq3A_53, %broadcast_in_dim3A_33, %broadcast_in_dim3A_35 : vector<16xi1>, vector<16xi32>
    %add3A_55 = arith.addi %add3A_48, %select_n3A_54 : vector<16xi32>
    %get3A_56 = arith.constant 48 : index
    %get3A_57 = tpu.vector_load %arg4[%get3A_56] {strides = array<i32>} : memref<2048xi32, #tpu.memory_space<vmem>>, vector<16xi32>,
    %eq3A_58 = arith.constant 102 : i32
    %eq3A_59 = vector.broadcast %eq3A_58 : i32 to vector<16xi32>
    %eq3A_60 = arith.cmpi eq, %get3A_57, %eq3A_59 : vector<16xi32>
    %select_n3A_61 = arith.select %eq3A_60, %broadcast_in_dim3A_33, %broadcast_in_dim3A_35 : vector<16xi1>, vector<16xi32>
    %add3A_62 = arith.addi %add3A_55, %select_n3A_61 : vector<16xi32>
    %get3A_63 = arith.constant 64 : index
    %get3A_64 = tpu.vector_load %arg4[%get3A_63] {strides = array<i32>} : memref<2048xi32, #tpu.memory_space<vmem>>, vector<16xi32>,
    %eq3A_65 = arith.constant 102 : i32
    %eq3A_66 = vector.broadcast %eq3A_65 : i32 to vector<16xi32>
    %eq3A_67 = arith.cmpi eq, %get3A_64, %eq3A_66 : vector<16xi32>
    %select_n3A_68 = arith.select %eq3A_67, %broadcast_in_dim3A_33, %broadcast_in_dim3A_35 : vector<16xi1>, vector<16xi32>
    %add3A_69 = arith.addi %add3A_62, %select_n3A_68 : vector<16xi32>
    %get3A_70 = arith.constant 80 : index
    %get3A_71 = tpu.vector_load %arg4[%get3A_70] {strides = array<i32>} : memref<2048xi32, #tpu.memory_space<vmem>>, vector<16xi32>,
    %eq3A_72 = arith.constant 102 : i32
    %eq3A_73 = vector.broadcast %eq3A_72 : i32 to vector<16xi32>
    %eq3A_74 = arith.cmpi eq, %get3A_71, %eq3A_73 : vector<16xi32>
    %select_n3A_75 = arith.select %eq3A_74, %broadcast_in_dim3A_33, %broadcast_in_dim3A_35 : vector<16xi1>, vector<16xi32>
    %add3A_76 = arith.addi %add3A_69, %select_n3A_75 : vector<16xi32>
    %get3A_77 = arith.constant 96 : index
    %get3A_78 = tpu.vector_load %arg4[%get3A_77] {strides = array<i32>} : memref<2048xi32, #tpu.memory_space<vmem>>, vector<16xi32>,
    %eq3A_79 = arith.constant 102 : i32
    %eq3A_80 = vector.broadcast %eq3A_79 : i32 to vector<16xi32>
    %eq3A_81 = arith.cmpi eq, %get3A_78, %eq3A_80 : vector<16xi32>
    %select_n3A_82 = arith.select %eq3A_81, %broadcast_in_dim3A_33, %broadcast_in_dim3A_35 : vector<16xi1>, vector<16xi32>
    %add3A_83 = arith.addi %add3A_76, %select_n3A_82 : vector<16xi32>
    %get3A_84 = arith.constant 112 : index
    %get3A_85 = tpu.vector_load %arg4[%get3A_84] {strides = array<i32>} : memref<2048xi32, #tpu.memory_space<vmem>>, vector<16xi32>,
    %eq3A_86 = arith.constant 102 : i32
    %eq3A_87 = vector.broadcast %eq3A_86 : i32 to vector<16xi32>
    %eq3A_88 = arith.cmpi eq, %get3A_85, %eq3A_87 : vector<16xi32>
    %select_n3A_89 = arith.select %eq3A_88, %broadcast_in_dim3A_33, %broadcast_in_dim3A_35 : vector<16xi1>, vector<16xi32>
    %add3A_90 = arith.addi %add3A_83, %select_n3A_89 : vector<16xi32>
    %get3A_91 = arith.constant 128 : index
    %get3A_92 = tpu.vector_load %arg4[%get3A_91] {strides = array<i32>} : memref<2048xi32, #tpu.memory_space<vmem>>, vector<16xi32>,
    %eq3A_93 = arith.constant 102 : i32
    %eq3A_94 = vector.broadcast %eq3A_93 : i32 to vector<16xi32>
    %eq3A_95 = arith.cmpi eq, %get3A_92, %eq3A_94 : vector<16xi32>
    %select_n3A_96 = arith.select %eq3A_95, %broadcast_in_dim3A_33, %broadcast_in_dim3A_35 : vector<16xi1>, vector<16xi32>
    %add3A_97 = arith.addi %add3A_90, %select_n3A_96 : vector<16xi32>
    %get3A_98 = arith.constant 144 : index
    %get3A_99 = tpu.vector_load %arg4[%get3A_98] {strides = array<i32>} : memref<2048xi32, #tpu.memory_space<vmem>>, vector<16xi32>,
    %eq3A_100 = arith.constant 102 : i32
    %eq3A_101 = vector.broadcast %eq3A_100 : i32 to vector<16xi32>
    %eq3A_102 = arith.cmpi eq, %get3A_99, %eq3A_101 : vector<16xi32>
    %select_n3A_103 = arith.select %eq3A_102, %broadcast_in_dim3A_33, %broadcast_in_dim3A_35 : vector<16xi1>, vector<16xi32>
    %add3A_104 = arith.addi %add3A_97, %select_n3A_103 : vector<16xi32>
    %get3A_105 = arith.constant 160 : index
    %get3A_106 = tpu.vector_load %arg4[%get3A_105] {strides = array<i32>} : memref<2048xi32, #tpu.memory_space<vmem>>, vector<16xi32>,
    %eq3A_107 = arith.constant 102 : i32
    %eq3A_108 = vector.broadcast %eq3A_107 : i32 to vector<16xi32>
    %eq3A_109 = arith.cmpi eq, %get3A_106, %eq3A_108 : vector<16xi32>
    %select_n3A_110 = arith.select %eq3A_109, %broadcast_in_dim3A_33, %broadcast_in_dim3A_35 : vector<16xi1>, vector<16xi32>
    %add3A_111 = arith.addi %add3A_104, %select_n3A_110 : vector<16xi32>
    %get3A_112 = arith.constant 176 : index
    %get3A_113 = tpu.vector_load %arg4[%get3A_112] {strides = array<i32>} : memref<2048xi32, #tpu.memory_space<vmem>>, vector<16xi32>,
    %eq3A_114 = arith.constant 102 : i32
    %eq3A_115 = vector.broadcast %eq3A_114 : i32 to vector<16xi32>
    %eq3A_116 = arith.cmpi eq, %get3A_113, %eq3A_115 : vector<16xi32>
    %select_n3A_117 = arith.select %eq3A_116, %broadcast_in_dim3A_33, %broadcast_in_dim3A_35 : vector<16xi1>, vector<16xi32>
    %add3A_118 = arith.addi %add3A_111, %select_n3A_117 : vector<16xi32>
    %get3A_119 = arith.constant 192 : index
    %get3A_120 = tpu.vector_load %arg4[%get3A_119] {strides = array<i32>} : memref<2048xi32, #tpu.memory_space<vmem>>, vector<16xi32>,
    %eq3A_121 = arith.constant 102 : i32
    %eq3A_122 = vector.broadcast %eq3A_121 : i32 to vector<16xi32>
    %eq3A_123 = arith.cmpi eq, %get3A_120, %eq3A_122 : vector<16xi32>
    %select_n3A_124 = arith.select %eq3A_123, %broadcast_in_dim3A_33, %broadcast_in_dim3A_35 : vector<16xi1>, vector<16xi32>
    %add3A_125 = arith.addi %add3A_118, %select_n3A_124 : vector<16xi32>
    %get3A_126 = arith.constant 208 : index
    %get3A_127 = tpu.vector_load %arg4[%get3A_126] {strides = array<i32>} : memref<2048xi32, #tpu.memory_space<vmem>>, vector<16xi32>,
    %eq3A_128 = arith.constant 102 : i32
    %eq3A_129 = vector.broadcast %eq3A_128 : i32 to vector<16xi32>
    %eq3A_130 = arith.cmpi eq, %get3A_127, %eq3A_129 : vector<16xi32>
    %select_n3A_131 = arith.select %eq3A_130, %broadcast_in_dim3A_33, %broadcast_in_dim3A_35 : vector<16xi1>, vector<16xi32>
    %add3A_132 = arith.addi %add3A_125, %select_n3A_131 : vector<16xi32>
    %get3A_133 = arith.constant 224 : index
    %get3A_134 = tpu.vector_load %arg4[%get3A_133] {strides = array<i32>} : memref<2048xi32, #tpu.memory_space<vmem>>, vector<16xi32>,
    %eq3A_135 = arith.constant 102 : i32
    %eq3A_136 = vector.broadcast %eq3A_135 : i32 to vector<16xi32>
    %eq3A_137 = arith.cmpi eq, %get3A_134, %eq3A_136 : vector<16xi32>
    %select_n3A_138 = arith.select %eq3A_137, %broadcast_in_dim3A_33, %broadcast_in_dim3A_35 : vector<16xi1>, vector<16xi32>
    %add3A_139 = arith.addi %add3A_132, %select_n3A_138 : vector<16xi32>
    %get3A_140 = arith.constant 240 : index
    %get3A_141 = tpu.vector_load %arg4[%get3A_140] {strides = array<i32>} : memref<2048xi32, #tpu.memory_space<vmem>>, vector<16xi32>,
    %eq3A_142 = arith.constant 102 : i32
    %eq3A_143 = vector.broadcast %eq3A_142 : i32 to vector<16xi32>
    %eq3A_144 = arith.cmpi eq, %get3A_141, %eq3A_143 : vector<16xi32>
    %select_n3A_145 = arith.select %eq3A_144, %broadcast_in_dim3A_33, %broadcast_in_dim3A_35 : vector<16xi1>, vector<16xi32>
    %add3A_146 = arith.addi %add3A_139, %select_n3A_145 : vector<16xi32>
    %get3A_147 = arith.constant 256 : index
    %get3A_148 = tpu.vector_load %arg4[%get3A_147] {strides = array<i32>} : memref<2048xi32, #tpu.memory_space<vmem>>, vector<16xi32>,
    %eq3A_149 = arith.constant 102 : i32
    %eq3A_150 = vector.broadcast %eq3A_149 : i32 to vector<16xi32>
    %eq3A_151 = arith.cmpi eq, %get3A_148, %eq3A_150 : vector<16xi32>
    %select_n3A_152 = arith.select %eq3A_151, %broadcast_in_dim3A_33, %broadcast_in_dim3A_35 : vector<16xi1>, vector<16xi32>
    %add3A_153 = arith.addi %add3A_146, %select_n3A_152 : vector<16xi32>
    %get3A_154 = arith.constant 272 : index
    %get3A_155 = tpu.vector_load %arg4[%get3A_154] {strides = array<i32>} : memref<2048xi32, #tpu.memory_space<vmem>>, vector<16xi32>,
    %eq3A_156 = arith.constant 102 : i32
    %eq3A_157 = vector.broadcast %eq3A_156 : i32 to vector<16xi32>
    %eq3A_158 = arith.cmpi eq, %get3A_155, %eq3A_157 : vector<16xi32>
    %select_n3A_159 = arith.select %eq3A_158, %broadcast_in_dim3A_33, %broadcast_in_dim3A_35 : vector<16xi1>, vector<16xi32>
    %add3A_160 = arith.addi %add3A_153, %select_n3A_159 : vector<16xi32>
    %get3A_161 = arith.constant 288 : index
    %get3A_162 = tpu.vector_load %arg4[%get3A_161] {strides = array<i32>} : memref<2048xi32, #tpu.memory_space<vmem>>, vector<16xi32>,
    %eq3A_163 = arith.constant 102 : i32
    %eq3A_164 = vector.broadcast %eq3A_163 : i32 to vector<16xi32>
    %eq3A_165 = arith.cmpi eq, %get3A_162, %eq3A_164 : vector<16xi32>
    %select_n3A_166 = arith.select %eq3A_165, %broadcast_in_dim3A_33, %broadcast_in_dim3A_35 : vector<16xi1>, vector<16xi32>
    %add3A_167 = arith.addi %add3A_160, %select_n3A_166 : vector<16xi32>
    %get3A_168 = arith.constant 304 : index
    %get3A_169 = tpu.vector_load %arg4[%get3A_168] {strides = array<i32>} : memref<2048xi32, #tpu.memory_space<vmem>>, vector<16xi32>,
    %eq3A_170 = arith.constant 102 : i32
    %eq3A_171 = vector.broadcast %eq3A_170 : i32 to vector<16xi32>
    %eq3A_172 = arith.cmpi eq, %get3A_169, %eq3A_171 : vector<16xi32>
    %select_n3A_173 = arith.select %eq3A_172, %broadcast_in_dim3A_33, %broadcast_in_dim3A_35 : vector<16xi1>, vector<16xi32>
    %add3A_174 = arith.addi %add3A_167, %select_n3A_173 : vector<16xi32>
    %get3A_175 = arith.constant 320 : index
    %get3A_176 = tpu.vector_load %arg4[%get3A_175] {strides = array<i32>} : memref<2048xi32, #tpu.memory_space<vmem>>, vector<16xi32>,
    %eq3A_177 = arith.constant 102 : i32
    %eq3A_178 = vector.broadcast %eq3A_177 : i32 to vector<16xi32>
    %eq3A_179 = arith.cmpi eq, %get3A_176, %eq3A_178 : vector<16xi32>
    %select_n3A_180 = arith.select %eq3A_179, %broadcast_in_dim3A_33, %broadcast_in_dim3A_35 : vector<16xi1>, vector<16xi32>
    %add3A_181 = arith.addi %add3A_174, %select_n3A_180 : vector<16xi32>
    %get3A_182 = arith.constant 336 : index
    %get3A_183 = tpu.vector_load %arg4[%get3A_182] {strides = array<i32>} : memref<2048xi32, #tpu.memory_space<vmem>>, vector<16xi32>,
    %eq3A_184 = arith.constant 102 : i32
    %eq3A_185 = vector.broadcast %eq3A_184 : i32 to vector<16xi32>
    %eq3A_186 = arith.cmpi eq, %get3A_183, %eq3A_185 : vector<16xi32>
    %select_n3A_187 = arith.select %eq3A_186, %broadcast_in_dim3A_33, %broadcast_in_dim3A_35 : vector<16xi1>, vector<16xi32>
    %add3A_188 = arith.addi %add3A_181, %select_n3A_187 : vector<16xi32>
    %get3A_189 = arith.constant 352 : index
    %get3A_190 = tpu.vector_load %arg4[%get3A_189] {strides = array<i32>} : memref<2048xi32, #tpu.memory_space<vmem>>, vector<16xi32>,
    %eq3A_191 = arith.constant 102 : i32
    %eq3A_192 = vector.broadcast %eq3A_191 : i32 to vector<16xi32>
    %eq3A_193 = arith.cmpi eq, %get3A_190, %eq3A_192 : vector<16xi32>
    %select_n3A_194 = arith.select %eq3A_193, %broadcast_in_dim3A_33, %broadcast_in_dim3A_35 : vector<16xi1>, vector<16xi32>
    %add3A_195 = arith.addi %add3A_188, %select_n3A_194 : vector<16xi32>
    %get3A_196 = arith.constant 368 : index
    %get3A_197 = tpu.vector_load %arg4[%get3A_196] {strides = array<i32>} : memref<2048xi32, #tpu.memory_space<vmem>>, vector<16xi32>,
    %eq3A_198 = arith.constant 102 : i32
    %eq3A_199 = vector.broadcast %eq3A_198 : i32 to vector<16xi32>
    %eq3A_200 = arith.cmpi eq, %get3A_197, %eq3A_199 : vector<16xi32>
    %select_n3A_201 = arith.select %eq3A_200, %broadcast_in_dim3A_33, %broadcast_in_dim3A_35 : vector<16xi1>, vector<16xi32>
    %add3A_202 = arith.addi %add3A_195, %select_n3A_201 : vector<16xi32>
    %get3A_203 = arith.constant 384 : index
    %get3A_204 = tpu.vector_load %arg4[%get3A_203] {strides = array<i32>} : memref<2048xi32, #tpu.memory_space<vmem>>, vector<16xi32>,
    %eq3A_205 = arith.constant 102 : i32
    %eq3A_206 = vector.broadcast %eq3A_205 : i32 to vector<16xi32>
    %eq3A_207 = arith.cmpi eq, %get3A_204, %eq3A_206 : vector<16xi32>
    %select_n3A_208 = arith.select %eq3A_207, %broadcast_in_dim3A_33, %broadcast_in_dim3A_35 : vector<16xi1>, vector<16xi32>
    %add3A_209 = arith.addi %add3A_202, %select_n3A_208 : vector<16xi32>
    %get3A_210 = arith.constant 400 : index
    %get3A_211 = tpu.vector_load %arg4[%get3A_210] {strides = array<i32>} : memref<2048xi32, #tpu.memory_space<vmem>>, vector<16xi32>,
    %eq3A_212 = arith.constant 102 : i32
    %eq3A_213 = vector.broadcast %eq3A_212 : i32 to vector<16xi32>
    %eq3A_214 = arith.cmpi eq, %get3A_211, %eq3A_213 : vector<16xi32>
    %select_n3A_215 = arith.select %eq3A_214, %broadcast_in_dim3A_33, %broadcast_in_dim3A_35 : vector<16xi1>, vector<16xi32>
    %add3A_216 = arith.addi %add3A_209, %select_n3A_215 : vector<16xi32>
    %get3A_217 = arith.constant 416 : index
    %get3A_218 = tpu.vector_load %arg4[%get3A_217] {strides = array<i32>} : memref<2048xi32, #tpu.memory_space<vmem>>, vector<16xi32>,
    %eq3A_219 = arith.constant 102 : i32
    %eq3A_220 = vector.broadcast %eq3A_219 : i32 to vector<16xi32>
    %eq3A_221 = arith.cmpi eq, %get3A_218, %eq3A_220 : vector<16xi32>
    %select_n3A_222 = arith.select %eq3A_221, %broadcast_in_dim3A_33, %broadcast_in_dim3A_35 : vector<16xi1>, vector<16xi32>
    %add3A_223 = arith.addi %add3A_216, %select_n3A_222 : vector<16xi32>
    %get3A_224 = arith.constant 432 : index
    %get3A_225 = tpu.vector_load %arg4[%get3A_224] {strides = array<i32>} : memref<2048xi32, #tpu.memory_space<vmem>>, vector<16xi32>,
    %eq3A_226 = arith.constant 102 : i32
    %eq3A_227 = vector.broadcast %eq3A_226 : i32 to vector<16xi32>
    %eq3A_228 = arith.cmpi eq, %get3A_225, %eq3A_227 : vector<16xi32>
    %select_n3A_229 = arith.select %eq3A_228, %broadcast_in_dim3A_33, %broadcast_in_dim3A_35 : vector<16xi1>, vector<16xi32>
    %add3A_230 = arith.addi %add3A_223, %select_n3A_229 : vector<16xi32>
    %get3A_231 = arith.constant 448 : index
    %get3A_232 = tpu.vector_load %arg4[%get3A_231] {strides = array<i32>} : memref<2048xi32, #tpu.memory_space<vmem>>, vector<16xi32>,
    %eq3A_233 = arith.constant 102 : i32
    %eq3A_234 = vector.broadcast %eq3A_233 : i32 to vector<16xi32>
    %eq3A_235 = arith.cmpi eq, %get3A_232, %eq3A_234 : vector<16xi32>
    %select_n3A_236 = arith.select %eq3A_235, %broadcast_in_dim3A_33, %broadcast_in_dim3A_35 : vector<16xi1>, vector<16xi32>
    %add3A_237 = arith.addi %add3A_230, %select_n3A_236 : vector<16xi32>
    %get3A_238 = arith.constant 464 : index
    %get3A_239 = tpu.vector_load %arg4[%get3A_238] {strides = array<i32>} : memref<2048xi32, #tpu.memory_space<vmem>>, vector<16xi32>,
    %eq3A_240 = arith.constant 102 : i32
    %eq3A_241 = vector.broadcast %eq3A_240 : i32 to vector<16xi32>
    %eq3A_242 = arith.cmpi eq, %get3A_239, %eq3A_241 : vector<16xi32>
    %select_n3A_243 = arith.select %eq3A_242, %broadcast_in_dim3A_33, %broadcast_in_dim3A_35 : vector<16xi1>, vector<16xi32>
    %add3A_244 = arith.addi %add3A_237, %select_n3A_243 : vector<16xi32>
    %get3A_245 = arith.constant 480 : index
    %get3A_246 = tpu.vector_load %arg4[%get3A_245] {strides = array<i32>} : memref<2048xi32, #tpu.memory_space<vmem>>, vector<16xi32>,
    %eq3A_247 = arith.constant 102 : i32
    %eq3A_248 = vector.broadcast %eq3A_247 : i32 to vector<16xi32>
    %eq3A_249 = arith.cmpi eq, %get3A_246, %eq3A_248 : vector<16xi32>
    %select_n3A_250 = arith.select %eq3A_249, %broadcast_in_dim3A_33, %broadcast_in_dim3A_35 : vector<16xi1>, vector<16xi32>
    %add3A_251 = arith.addi %add3A_244, %select_n3A_250 : vector<16xi32>
    %get3A_252 = arith.constant 496 : index
    %get3A_253 = tpu.vector_load %arg4[%get3A_252] {strides = array<i32>} : memref<2048xi32, #tpu.memory_space<vmem>>, vector<16xi32>,
    %eq3A_254 = arith.constant 102 : i32
    %eq3A_255 = vector.broadcast %eq3A_254 : i32 to vector<16xi32>
    %eq3A_256 = arith.cmpi eq, %get3A_253, %eq3A_255 : vector<16xi32>
    %select_n3A_257 = arith.select %eq3A_256, %broadcast_in_dim3A_33, %broadcast_in_dim3A_35 : vector<16xi1>, vector<16xi32>
    %add3A_258 = arith.addi %add3A_251, %select_n3A_257 : vector<16xi32>
    %get3A_259 = arith.constant 512 : index
    %get3A_260 = tpu.vector_load %arg4[%get3A_259] {strides = array<i32>} : memref<2048xi32, #tpu.memory_space<vmem>>, vector<16xi32>,
    %eq3A_261 = arith.constant 102 : i32
    %eq3A_262 = vector.broadcast %eq3A_261 : i32 to vector<16xi32>
    %eq3A_263 = arith.cmpi eq, %get3A_260, %eq3A_262 : vector<16xi32>
    %select_n3A_264 = arith.select %eq3A_263, %broadcast_in_dim3A_33, %broadcast_in_dim3A_35 : vector<16xi1>, vector<16xi32>
    %add3A_265 = arith.addi %add3A_258, %select_n3A_264 : vector<16xi32>
    %get3A_266 = arith.constant 528 : index
    %get3A_267 = tpu.vector_load %arg4[%get3A_266] {strides = array<i32>} : memref<2048xi32, #tpu.memory_space<vmem>>, vector<16xi32>,
    %eq3A_268 = arith.constant 102 : i32
    %eq3A_269 = vector.broadcast %eq3A_268 : i32 to vector<16xi32>
    %eq3A_270 = arith.cmpi eq, %get3A_267, %eq3A_269 : vector<16xi32>
    %select_n3A_271 = arith.select %eq3A_270, %broadcast_in_dim3A_33, %broadcast_in_dim3A_35 : vector<16xi1>, vector<16xi32>
    %add3A_272 = arith.addi %add3A_265, %select_n3A_271 : vector<16xi32>
    %get3A_273 = arith.constant 544 : index
    %get3A_274 = tpu.vector_load %arg4[%get3A_273] {strides = array<i32>} : memref<2048xi32, #tpu.memory_space<vmem>>, vector<16xi32>,
    %eq3A_275 = arith.constant 102 : i32
    %eq3A_276 = vector.broadcast %eq3A_275 : i32 to vector<16xi32>
    %eq3A_277 = arith.cmpi eq, %get3A_274, %eq3A_276 : vector<16xi32>
    %select_n3A_278 = arith.select %eq3A_277, %broadcast_in_dim3A_33, %broadcast_in_dim3A_35 : vector<16xi1>, vector<16xi32>
    %add3A_279 = arith.addi %add3A_272, %select_n3A_278 : vector<16xi32>
    %get3A_280 = arith.constant 560 : index
    %get3A_281 = tpu.vector_load %arg4[%get3A_280] {strides = array<i32>} : memref<2048xi32, #tpu.memory_space<vmem>>, vector<16xi32>,
    %eq3A_282 = arith.constant 102 : i32
    %eq3A_283 = vector.broadcast %eq3A_282 : i32 to vector<16xi32>
    %eq3A_284 = arith.cmpi eq, %get3A_281, %eq3A_283 : vector<16xi32>
    %select_n3A_285 = arith.select %eq3A_284, %broadcast_in_dim3A_33, %broadcast_in_dim3A_35 : vector<16xi1>, vector<16xi32>
    %add3A_286 = arith.addi %add3A_279, %select_n3A_285 : vector<16xi32>
    %get3A_287 = arith.constant 576 : index
    %get3A_288 = tpu.vector_load %arg4[%get3A_287] {strides = array<i32>} : memref<2048xi32, #tpu.memory_space<vmem>>, vector<16xi32>,
    %eq3A_289 = arith.constant 102 : i32
    %eq3A_290 = vector.broadcast %eq3A_289 : i32 to vector<16xi32>
    %eq3A_291 = arith.cmpi eq, %get3A_288, %eq3A_290 : vector<16xi32>
    %select_n3A_292 = arith.select %eq3A_291, %broadcast_in_dim3A_33, %broadcast_in_dim3A_35 : vector<16xi1>, vector<16xi32>
    %add3A_293 = arith.addi %add3A_286, %select_n3A_292 : vector<16xi32>
    %get3A_294 = arith.constant 592 : index
    %get3A_295 = tpu.vector_load %arg4[%get3A_294] {strides = array<i32>} : memref<2048xi32, #tpu.memory_space<vmem>>, vector<16xi32>,
    %eq3A_296 = arith.constant 102 : i32
    %eq3A_297 = vector.broadcast %eq3A_296 : i32 to vector<16xi32>
    %eq3A_298 = arith.cmpi eq, %get3A_295, %eq3A_297 : vector<16xi32>
    %select_n3A_299 = arith.select %eq3A_298, %broadcast_in_dim3A_33, %broadcast_in_dim3A_35 : vector<16xi1>, vector<16xi32>
    %add3A_300 = arith.addi %add3A_293, %select_n3A_299 : vector<16xi32>
    %get3A_301 = arith.constant 608 : index
    %get3A_302 = tpu.vector_load %arg4[%get3A_301] {strides = array<i32>} : memref<2048xi32, #tpu.memory_space<vmem>>, vector<16xi32>,
    %eq3A_303 = arith.constant 102 : i32
    %eq3A_304 = vector.broadcast %eq3A_303 : i32 to vector<16xi32>
    %eq3A_305 = arith.cmpi eq, %get3A_302, %eq3A_304 : vector<16xi32>
    %select_n3A_306 = arith.select %eq3A_305, %broadcast_in_dim3A_33, %broadcast_in_dim3A_35 : vector<16xi1>, vector<16xi32>
    %add3A_307 = arith.addi %add3A_300, %select_n3A_306 : vector<16xi32>
    %get3A_308 = arith.constant 624 : index
    %get3A_309 = tpu.vector_load %arg4[%get3A_308] {strides = array<i32>} : memref<2048xi32, #tpu.memory_space<vmem>>, vector<16xi32>,
    %eq3A_310 = arith.constant 102 : i32
    %eq3A_311 = vector.broadcast %eq3A_310 : i32 to vector<16xi32>
    %eq3A_312 = arith.cmpi eq, %get3A_309, %eq3A_311 : vector<16xi32>
    %select_n3A_313 = arith.select %eq3A_312, %broadcast_in_dim3A_33, %broadcast_in_dim3A_35 : vector<16xi1>, vector<16xi32>
    %add3A_314 = arith.addi %add3A_307, %select_n3A_313 : vector<16xi32>
    %get3A_315 = arith.constant 640 : index
    %get3A_316 = tpu.vector_load %arg4[%get3A_315] {strides = array<i32>} : memref<2048xi32, #tpu.memory_space<vmem>>, vector<16xi32>,
    %eq3A_317 = arith.constant 102 : i32
    %eq3A_318 = vector.broadcast %eq3A_317 : i32 to vector<16xi32>
    %eq3A_319 = arith.cmpi eq, %get3A_316, %eq3A_318 : vector<16xi32>
    %select_n3A_320 = arith.select %eq3A_319, %broadcast_in_dim3A_33, %broadcast_in_dim3A_35 : vector<16xi1>, vector<16xi32>
    %add3A_321 = arith.addi %add3A_314, %select_n3A_320 : vector<16xi32>
    %get3A_322 = arith.constant 656 : index
    %get3A_323 = tpu.vector_load %arg4[%get3A_322] {strides = array<i32>} : memref<2048xi32, #tpu.memory_space<vmem>>, vector<16xi32>,
    %eq3A_324 = arith.constant 102 : i32
    %eq3A_325 = vector.broadcast %eq3A_324 : i32 to vector<16xi32>
    %eq3A_326 = arith.cmpi eq, %get3A_323, %eq3A_325 : vector<16xi32>
    %select_n3A_327 = arith.select %eq3A_326, %broadcast_in_dim3A_33, %broadcast_in_dim3A_35 : vector<16xi1>, vector<16xi32>
    %add3A_328 = arith.addi %add3A_321, %select_n3A_327 : vector<16xi32>
    %get3A_329 = arith.constant 672 : index
    %get3A_330 = tpu.vector_load %arg4[%get3A_329] {strides = array<i32>} : memref<2048xi32, #tpu.memory_space<vmem>>, vector<16xi32>,
    %eq3A_331 = arith.constant 102 : i32
    %eq3A_332 = vector.broadcast %eq3A_331 : i32 to vector<16xi32>
    %eq3A_333 = arith.cmpi eq, %get3A_330, %eq3A_332 : vector<16xi32>
    %select_n3A_334 = arith.select %eq3A_333, %broadcast_in_dim3A_33, %broadcast_in_dim3A_35 : vector<16xi1>, vector<16xi32>
    %add3A_335 = arith.addi %add3A_328, %select_n3A_334 : vector<16xi32>
    %get3A_336 = arith.constant 688 : index
    %get3A_337 = tpu.vector_load %arg4[%get3A_336] {strides = array<i32>} : memref<2048xi32, #tpu.memory_space<vmem>>, vector<16xi32>,
    %eq3A_338 = arith.constant 102 : i32
    %eq3A_339 = vector.broadcast %eq3A_338 : i32 to vector<16xi32>
    %eq3A_340 = arith.cmpi eq, %get3A_337, %eq3A_339 : vector<16xi32>
    %select_n3A_341 = arith.select %eq3A_340, %broadcast_in_dim3A_33, %broadcast_in_dim3A_35 : vector<16xi1>, vector<16xi32>
    %add3A_342 = arith.addi %add3A_335, %select_n3A_341 : vector<16xi32>
    %get3A_343 = arith.constant 704 : index
    %get3A_344 = tpu.vector_load %arg4[%get3A_343] {strides = array<i32>} : memref<2048xi32, #tpu.memory_space<vmem>>, vector<16xi32>,
    %eq3A_345 = arith.constant 102 : i32
    %eq3A_346 = vector.broadcast %eq3A_345 : i32 to vector<16xi32>
    %eq3A_347 = arith.cmpi eq, %get3A_344, %eq3A_346 : vector<16xi32>
    %select_n3A_348 = arith.select %eq3A_347, %broadcast_in_dim3A_33, %broadcast_in_dim3A_35 : vector<16xi1>, vector<16xi32>
    %add3A_349 = arith.addi %add3A_342, %select_n3A_348 : vector<16xi32>
    %get3A_350 = arith.constant 720 : index
    %get3A_351 = tpu.vector_load %arg4[%get3A_350] {strides = array<i32>} : memref<2048xi32, #tpu.memory_space<vmem>>, vector<16xi32>,
    %eq3A_352 = arith.constant 102 : i32
    %eq3A_353 = vector.broadcast %eq3A_352 : i32 to vector<16xi32>
    %eq3A_354 = arith.cmpi eq, %get3A_351, %eq3A_353 : vector<16xi32>
    %select_n3A_355 = arith.select %eq3A_354, %broadcast_in_dim3A_33, %broadcast_in_dim3A_35 : vector<16xi1>, vector<16xi32>
    %add3A_356 = arith.addi %add3A_349, %select_n3A_355 : vector<16xi32>
    %get3A_357 = arith.constant 736 : index
    %get3A_358 = tpu.vector_load %arg4[%get3A_357] {strides = array<i32>} : memref<2048xi32, #tpu.memory_space<vmem>>, vector<16xi32>,
    %eq3A_359 = arith.constant 102 : i32
    %eq3A_360 = vector.broadcast %eq3A_359 : i32 to vector<16xi32>
    %eq3A_361 = arith.cmpi eq, %get3A_358, %eq3A_360 : vector<16xi32>
    %select_n3A_362 = arith.select %eq3A_361, %broadcast_in_dim3A_33, %broadcast_in_dim3A_35 : vector<16xi1>, vector<16xi32>
    %add3A_363 = arith.addi %add3A_356, %select_n3A_362 : vector<16xi32>
    %get3A_364 = arith.constant 752 : index
    %get3A_365 = tpu.vector_load %arg4[%get3A_364] {strides = array<i32>} : memref<2048xi32, #tpu.memory_space<vmem>>, vector<16xi32>,
    %eq3A_366 = arith.constant 102 : i32
    %eq3A_367 = vector.broadcast %eq3A_366 : i32 to vector<16xi32>
    %eq3A_368 = arith.cmpi eq, %get3A_365, %eq3A_367 : vector<16xi32>
    %select_n3A_369 = arith.select %eq3A_368, %broadcast_in_dim3A_33, %broadcast_in_dim3A_35 : vector<16xi1>, vector<16xi32>
    %add3A_370 = arith.addi %add3A_363, %select_n3A_369 : vector<16xi32>
    %get3A_371 = arith.constant 768 : index
    %get3A_372 = tpu.vector_load %arg4[%get3A_371] {strides = array<i32>} : memref<2048xi32, #tpu.memory_space<vmem>>, vector<16xi32>,
    %eq3A_373 = arith.constant 102 : i32
    %eq3A_374 = vector.broadcast %eq3A_373 : i32 to vector<16xi32>
    %eq3A_375 = arith.cmpi eq, %get3A_372, %eq3A_374 : vector<16xi32>
    %select_n3A_376 = arith.select %eq3A_375, %broadcast_in_dim3A_33, %broadcast_in_dim3A_35 : vector<16xi1>, vector<16xi32>
    %add3A_377 = arith.addi %add3A_370, %select_n3A_376 : vector<16xi32>
    %get3A_378 = arith.constant 784 : index
    %get3A_379 = tpu.vector_load %arg4[%get3A_378] {strides = array<i32>} : memref<2048xi32, #tpu.memory_space<vmem>>, vector<16xi32>,
    %eq3A_380 = arith.constant 102 : i32
    %eq3A_381 = vector.broadcast %eq3A_380 : i32 to vector<16xi32>
    %eq3A_382 = arith.cmpi eq, %get3A_379, %eq3A_381 : vector<16xi32>
    %select_n3A_383 = arith.select %eq3A_382, %broadcast_in_dim3A_33, %broadcast_in_dim3A_35 : vector<16xi1>, vector<16xi32>
    %add3A_384 = arith.addi %add3A_377, %select_n3A_383 : vector<16xi32>
    %get3A_385 = arith.constant 800 : index
    %get3A_386 = tpu.vector_load %arg4[%get3A_385] {strides = array<i32>} : memref<2048xi32, #tpu.memory_space<vmem>>, vector<16xi32>,
    %eq3A_387 = arith.constant 102 : i32
    %eq3A_388 = vector.broadcast %eq3A_387 : i32 to vector<16xi32>
    %eq3A_389 = arith.cmpi eq, %get3A_386, %eq3A_388 : vector<16xi32>
    %select_n3A_390 = arith.select %eq3A_389, %broadcast_in_dim3A_33, %broadcast_in_dim3A_35 : vector<16xi1>, vector<16xi32>
    %add3A_391 = arith.addi %add3A_384, %select_n3A_390 : vector<16xi32>
    %get3A_392 = arith.constant 816 : index
    %get3A_393 = tpu.vector_load %arg4[%get3A_392] {strides = array<i32>} : memref<2048xi32, #tpu.memory_space<vmem>>, vector<16xi32>,
    %eq3A_394 = arith.constant 102 : i32
    %eq3A_395 = vector.broadcast %eq3A_394 : i32 to vector<16xi32>
    %eq3A_396 = arith.cmpi eq, %get3A_393, %eq3A_395 : vector<16xi32>
    %select_n3A_397 = arith.select %eq3A_396, %broadcast_in_dim3A_33, %broadcast_in_dim3A_35 : vector<16xi1>, vector<16xi32>
    %add3A_398 = arith.addi %add3A_391, %select_n3A_397 : vector<16xi32>
    %get3A_399 = arith.constant 832 : index
    %get3A_400 = tpu.vector_load %arg4[%get3A_399] {strides = array<i32>} : memref<2048xi32, #tpu.memory_space<vmem>>, vector<16xi32>,
    %eq3A_401 = arith.constant 102 : i32
    %eq3A_402 = vector.broadcast %eq3A_401 : i32 to vector<16xi32>
    %eq3A_403 = arith.cmpi eq, %get3A_400, %eq3A_402 : vector<16xi32>
    %select_n3A_404 = arith.select %eq3A_403, %broadcast_in_dim3A_33, %broadcast_in_dim3A_35 : vector<16xi1>, vector<16xi32>
    %add3A_405 = arith.addi %add3A_398, %select_n3A_404 : vector<16xi32>
    %get3A_406 = arith.constant 848 : index
    %get3A_407 = tpu.vector_load %arg4[%get3A_406] {strides = array<i32>} : memref<2048xi32, #tpu.memory_space<vmem>>, vector<16xi32>,
    %eq3A_408 = arith.constant 102 : i32
    %eq3A_409 = vector.broadcast %eq3A_408 : i32 to vector<16xi32>
    %eq3A_410 = arith.cmpi eq, %get3A_407, %eq3A_409 : vector<16xi32>
    %select_n3A_411 = arith.select %eq3A_410, %broadcast_in_dim3A_33, %broadcast_in_dim3A_35 : vector<16xi1>, vector<16xi32>
    %add3A_412 = arith.addi %add3A_405, %select_n3A_411 : vector<16xi32>
    %get3A_413 = arith.constant 864 : index
    %get3A_414 = tpu.vector_load %arg4[%get3A_413] {strides = array<i32>} : memref<2048xi32, #tpu.memory_space<vmem>>, vector<16xi32>,
    %eq3A_415 = arith.constant 102 : i32
    %eq3A_416 = vector.broadcast %eq3A_415 : i32 to vector<16xi32>
    %eq3A_417 = arith.cmpi eq, %get3A_414, %eq3A_416 : vector<16xi32>
    %select_n3A_418 = arith.select %eq3A_417, %broadcast_in_dim3A_33, %broadcast_in_dim3A_35 : vector<16xi1>, vector<16xi32>
    %add3A_419 = arith.addi %add3A_412, %select_n3A_418 : vector<16xi32>
    %get3A_420 = arith.constant 880 : index
    %get3A_421 = tpu.vector_load %arg4[%get3A_420] {strides = array<i32>} : memref<2048xi32, #tpu.memory_space<vmem>>, vector<16xi32>,
    %eq3A_422 = arith.constant 102 : i32
    %eq3A_423 = vector.broadcast %eq3A_422 : i32 to vector<16xi32>
    %eq3A_424 = arith.cmpi eq, %get3A_421, %eq3A_423 : vector<16xi32>
    %select_n3A_425 = arith.select %eq3A_424, %broadcast_in_dim3A_33, %broadcast_in_dim3A_35 : vector<16xi1>, vector<16xi32>
    %add3A_426 = arith.addi %add3A_419, %select_n3A_425 : vector<16xi32>
    %get3A_427 = arith.constant 896 : index
    %get3A_428 = tpu.vector_load %arg4[%get3A_427] {strides = array<i32>} : memref<2048xi32, #tpu.memory_space<vmem>>, vector<16xi32>,
    %eq3A_429 = arith.constant 102 : i32
    %eq3A_430 = vector.broadcast %eq3A_429 : i32 to vector<16xi32>
    %eq3A_431 = arith.cmpi eq, %get3A_428, %eq3A_430 : vector<16xi32>
    %select_n3A_432 = arith.select %eq3A_431, %broadcast_in_dim3A_33, %broadcast_in_dim3A_35 : vector<16xi1>, vector<16xi32>
    %add3A_433 = arith.addi %add3A_426, %select_n3A_432 : vector<16xi32>
    %get3A_434 = arith.constant 912 : index
    %get3A_435 = tpu.vector_load %arg4[%get3A_434] {strides = array<i32>} : memref<2048xi32, #tpu.memory_space<vmem>>, vector<16xi32>,
    %eq3A_436 = arith.constant 102 : i32
    %eq3A_437 = vector.broadcast %eq3A_436 : i32 to vector<16xi32>
    %eq3A_438 = arith.cmpi eq, %get3A_435, %eq3A_437 : vector<16xi32>
    %select_n3A_439 = arith.select %eq3A_438, %broadcast_in_dim3A_33, %broadcast_in_dim3A_35 : vector<16xi1>, vector<16xi32>
    %add3A_440 = arith.addi %add3A_433, %select_n3A_439 : vector<16xi32>
    %get3A_441 = arith.constant 928 : index
    %get3A_442 = tpu.vector_load %arg4[%get3A_441] {strides = array<i32>} : memref<2048xi32, #tpu.memory_space<vmem>>, vector<16xi32>,
    %eq3A_443 = arith.constant 102 : i32
    %eq3A_444 = vector.broadcast %eq3A_443 : i32 to vector<16xi32>
    %eq3A_445 = arith.cmpi eq, %get3A_442, %eq3A_444 : vector<16xi32>
    %select_n3A_446 = arith.select %eq3A_445, %broadcast_in_dim3A_33, %broadcast_in_dim3A_35 : vector<16xi1>, vector<16xi32>
    %add3A_447 = arith.addi %add3A_440, %select_n3A_446 : vector<16xi32>
    %get3A_448 = arith.constant 944 : index
    %get3A_449 = tpu.vector_load %arg4[%get3A_448] {strides = array<i32>} : memref<2048xi32, #tpu.memory_space<vmem>>, vector<16xi32>,
    %eq3A_450 = arith.constant 102 : i32
    %eq3A_451 = vector.broadcast %eq3A_450 : i32 to vector<16xi32>
    %eq3A_452 = arith.cmpi eq, %get3A_449, %eq3A_451 : vector<16xi32>
    %select_n3A_453 = arith.select %eq3A_452, %broadcast_in_dim3A_33, %broadcast_in_dim3A_35 : vector<16xi1>, vector<16xi32>
    %add3A_454 = arith.addi %add3A_447, %select_n3A_453 : vector<16xi32>
    %get3A_455 = arith.constant 960 : index
    %get3A_456 = tpu.vector_load %arg4[%get3A_455] {strides = array<i32>} : memref<2048xi32, #tpu.memory_space<vmem>>, vector<16xi32>,
    %eq3A_457 = arith.constant 102 : i32
    %eq3A_458 = vector.broadcast %eq3A_457 : i32 to vector<16xi32>
    %eq3A_459 = arith.cmpi eq, %get3A_456, %eq3A_458 : vector<16xi32>
    %select_n3A_460 = arith.select %eq3A_459, %broadcast_in_dim3A_33, %broadcast_in_dim3A_35 : vector<16xi1>, vector<16xi32>
    %add3A_461 = arith.addi %add3A_454, %select_n3A_460 : vector<16xi32>
    %get3A_462 = arith.constant 976 : index
    %get3A_463 = tpu.vector_load %arg4[%get3A_462] {strides = array<i32>} : memref<2048xi32, #tpu.memory_space<vmem>>, vector<16xi32>,
    %eq3A_464 = arith.constant 102 : i32
    %eq3A_465 = vector.broadcast %eq3A_464 : i32 to vector<16xi32>
    %eq3A_466 = arith.cmpi eq, %get3A_463, %eq3A_465 : vector<16xi32>
    %select_n3A_467 = arith.select %eq3A_466, %broadcast_in_dim3A_33, %broadcast_in_dim3A_35 : vector<16xi1>, vector<16xi32>
    %add3A_468 = arith.addi %add3A_461, %select_n3A_467 : vector<16xi32>
    %get3A_469 = arith.constant 992 : index
    %get3A_470 = tpu.vector_load %arg4[%get3A_469] {strides = array<i32>} : memref<2048xi32, #tpu.memory_space<vmem>>, vector<16xi32>,
    %eq3A_471 = arith.constant 102 : i32
    %eq3A_472 = vector.broadcast %eq3A_471 : i32 to vector<16xi32>
    %eq3A_473 = arith.cmpi eq, %get3A_470, %eq3A_472 : vector<16xi32>
    %select_n3A_474 = arith.select %eq3A_473, %broadcast_in_dim3A_33, %broadcast_in_dim3A_35 : vector<16xi1>, vector<16xi32>
    %add3A_475 = arith.addi %add3A_468, %select_n3A_474 : vector<16xi32>
    %get3A_476 = arith.constant 1008 : index
    %get3A_477 = tpu.vector_load %arg4[%get3A_476] {strides = array<i32>} : memref<2048xi32, #tpu.memory_space<vmem>>, vector<16xi32>,
    %eq3A_478 = arith.constant 102 : i32
    %eq3A_479 = vector.broadcast %eq3A_478 : i32 to vector<16xi32>
    %eq3A_480 = arith.cmpi eq, %get3A_477, %eq3A_479 : vector<16xi32>
    %select_n3A_481 = arith.select %eq3A_480, %broadcast_in_dim3A_33, %broadcast_in_dim3A_35 : vector<16xi1>, vector<16xi32>
    %add3A_482 = arith.addi %add3A_475, %select_n3A_481 : vector<16xi32>
    %iota3A = tpu.iota {dimensions = array<i32: 0>} : vector<16xi32>
    %swap3A = arith.constant 0 : index
    %swap3A_483 = tpu.vector_load %arg7[%swap3A] {strides = array<i32>} : memref<16xi32, #tpu.memory_space<vmem>>, vector<16xi32>,
    tpu.vector_store %arg7[%swap3A], %add3A_482 {strides = array<i32>} : memref<16xi32, #tpu.memory_space<vmem>>, vector<16xi32>,
    %xor3A = arith.constant 8 : i32
    %xor3A_484 = vector.broadcast %xor3A : i32 to vector<16xi32>
    %xor3A_485 = arith.xori %iota3A, %xor3A_484 : vector<16xi32>
    %gather3A = tpu.vector_load_idx %arg7[%xor3A_485] : memref<16xi32, #tpu.memory_space<vmem>>[vector<16xi32>], vector<16xi32>,
    %add3A_486 = arith.addi %add3A_482, %gather3A : vector<16xi32>
    %swap3A_487 = arith.constant 0 : index
    %swap3A_488 = tpu.vector_load %arg7[%swap3A_487] {strides = array<i32>} : memref<16xi32, #tpu.memory_space<vmem>>, vector<16xi32>,
    tpu.vector_store %arg7[%swap3A_487], %add3A_486 {strides = array<i32>} : memref<16xi32, #tpu.memory_space<vmem>>, vector<16xi32>,
    %xor3A_489 = arith.constant 4 : i32
    %xor3A_490 = vector.broadcast %xor3A_489 : i32 to vector<16xi32>
    %xor3A_491 = arith.xori %iota3A, %xor3A_490 : vector<16xi32>
    %gather3A_492 = tpu.vector_load_idx %arg7[%xor3A_491] : memref<16xi32, #tpu.memory_space<vmem>>[vector<16xi32>], vector<16xi32>,
    %add3A_493 = arith.addi %add3A_486, %gather3A_492 : vector<16xi32>
    %swap3A_494 = arith.constant 0 : index
    %swap3A_495 = tpu.vector_load %arg7[%swap3A_494] {strides = array<i32>} : memref<16xi32, #tpu.memory_space<vmem>>, vector<16xi32>,
    tpu.vector_store %arg7[%swap3A_494], %add3A_493 {strides = array<i32>} : memref<16xi32, #tpu.memory_space<vmem>>, vector<16xi32>,
    %xor3A_496 = arith.constant 2 : i32
    %xor3A_497 = vector.broadcast %xor3A_496 : i32 to vector<16xi32>
    %xor3A_498 = arith.xori %iota3A, %xor3A_497 : vector<16xi32>
    %gather3A_499 = tpu.vector_load_idx %arg7[%xor3A_498] : memref<16xi32, #tpu.memory_space<vmem>>[vector<16xi32>], vector<16xi32>,
    %add3A_500 = arith.addi %add3A_493, %gather3A_499 : vector<16xi32>
    %swap3A_501 = arith.constant 0 : index
    %swap3A_502 = tpu.vector_load %arg7[%swap3A_501] {strides = array<i32>} : memref<16xi32, #tpu.memory_space<vmem>>, vector<16xi32>,
    tpu.vector_store %arg7[%swap3A_501], %add3A_500 {strides = array<i32>} : memref<16xi32, #tpu.memory_space<vmem>>, vector<16xi32>,
    %xor3A_503 = arith.constant 1 : i32
    %xor3A_504 = vector.broadcast %xor3A_503 : i32 to vector<16xi32>
    %xor3A_505 = arith.xori %iota3A, %xor3A_504 : vector<16xi32>
    %gather3A_506 = tpu.vector_load_idx %arg7[%xor3A_505] : memref<16xi32, #tpu.memory_space<vmem>>[vector<16xi32>], vector<16xi32>,
    %add3A_507 = arith.addi %add3A_500, %gather3A_506 : vector<16xi32>
    %get3A_508 = arith.constant 1024 : index
    %get3A_509 = tpu.vector_load %arg4[%get3A_508] {strides = array<i32>} : memref<2048xi32, #tpu.memory_space<vmem>>, vector<16xi32>,
    %eq3A_510 = arith.constant 102 : i32
    %eq3A_511 = vector.broadcast %eq3A_510 : i32 to vector<16xi32>
    %eq3A_512 = arith.cmpi eq, %get3A_509, %eq3A_511 : vector<16xi32>
    %select_n3A_513 = arith.select %eq3A_512, %broadcast_in_dim3A_33, %broadcast_in_dim3A_35 : vector<16xi1>, vector<16xi32>
    %add3A_514 = arith.addi %broadcast_in_dim3A_35, %select_n3A_513 : vector<16xi32>
    %get3A_515 = arith.constant 1040 : index
    %get3A_516 = tpu.vector_load %arg4[%get3A_515] {strides = array<i32>} : memref<2048xi32, #tpu.memory_space<vmem>>, vector<16xi32>,
    %eq3A_517 = arith.constant 102 : i32
    %eq3A_518 = vector.broadcast %eq3A_517 : i32 to vector<16xi32>
    %eq3A_519 = arith.cmpi eq, %get3A_516, %eq3A_518 : vector<16xi32>
    %select_n3A_520 = arith.select %eq3A_519, %broadcast_in_dim3A_33, %broadcast_in_dim3A_35 : vector<16xi1>, vector<16xi32>
    %add3A_521 = arith.addi %add3A_514, %select_n3A_520 : vector<16xi32>
    %get3A_522 = arith.constant 1056 : index
    %get3A_523 = tpu.vector_load %arg4[%get3A_522] {strides = array<i32>} : memref<2048xi32, #tpu.memory_space<vmem>>, vector<16xi32>,
    %eq3A_524 = arith.constant 102 : i32
    %eq3A_525 = vector.broadcast %eq3A_524 : i32 to vector<16xi32>
    %eq3A_526 = arith.cmpi eq, %get3A_523, %eq3A_525 : vector<16xi32>
    %select_n3A_527 = arith.select %eq3A_526, %broadcast_in_dim3A_33, %broadcast_in_dim3A_35 : vector<16xi1>, vector<16xi32>
    %add3A_528 = arith.addi %add3A_521, %select_n3A_527 : vector<16xi32>
    %get3A_529 = arith.constant 1072 : index
    %get3A_530 = tpu.vector_load %arg4[%get3A_529] {strides = array<i32>} : memref<2048xi32, #tpu.memory_space<vmem>>, vector<16xi32>,
    %eq3A_531 = arith.constant 102 : i32
    %eq3A_532 = vector.broadcast %eq3A_531 : i32 to vector<16xi32>
    %eq3A_533 = arith.cmpi eq, %get3A_530, %eq3A_532 : vector<16xi32>
    %select_n3A_534 = arith.select %eq3A_533, %broadcast_in_dim3A_33, %broadcast_in_dim3A_35 : vector<16xi1>, vector<16xi32>
    %add3A_535 = arith.addi %add3A_528, %select_n3A_534 : vector<16xi32>
    %get3A_536 = arith.constant 1088 : index
    %get3A_537 = tpu.vector_load %arg4[%get3A_536] {strides = array<i32>} : memref<2048xi32, #tpu.memory_space<vmem>>, vector<16xi32>,
    %eq3A_538 = arith.constant 102 : i32
    %eq3A_539 = vector.broadcast %eq3A_538 : i32 to vector<16xi32>
    %eq3A_540 = arith.cmpi eq, %get3A_537, %eq3A_539 : vector<16xi32>
    %select_n3A_541 = arith.select %eq3A_540, %broadcast_in_dim3A_33, %broadcast_in_dim3A_35 : vector<16xi1>, vector<16xi32>
    %add3A_542 = arith.addi %add3A_535, %select_n3A_541 : vector<16xi32>
    %get3A_543 = arith.constant 1104 : index
    %get3A_544 = tpu.vector_load %arg4[%get3A_543] {strides = array<i32>} : memref<2048xi32, #tpu.memory_space<vmem>>, vector<16xi32>,
    %eq3A_545 = arith.constant 102 : i32
    %eq3A_546 = vector.broadcast %eq3A_545 : i32 to vector<16xi32>
    %eq3A_547 = arith.cmpi eq, %get3A_544, %eq3A_546 : vector<16xi32>
    %select_n3A_548 = arith.select %eq3A_547, %broadcast_in_dim3A_33, %broadcast_in_dim3A_35 : vector<16xi1>, vector<16xi32>
    %add3A_549 = arith.addi %add3A_542, %select_n3A_548 : vector<16xi32>
    %get3A_550 = arith.constant 1120 : index
    %get3A_551 = tpu.vector_load %arg4[%get3A_550] {strides = array<i32>} : memref<2048xi32, #tpu.memory_space<vmem>>, vector<16xi32>,
    %eq3A_552 = arith.constant 102 : i32
    %eq3A_553 = vector.broadcast %eq3A_552 : i32 to vector<16xi32>
    %eq3A_554 = arith.cmpi eq, %get3A_551, %eq3A_553 : vector<16xi32>
    %select_n3A_555 = arith.select %eq3A_554, %broadcast_in_dim3A_33, %broadcast_in_dim3A_35 : vector<16xi1>, vector<16xi32>
    %add3A_556 = arith.addi %add3A_549, %select_n3A_555 : vector<16xi32>
    %get3A_557 = arith.constant 1136 : index
    %get3A_558 = tpu.vector_load %arg4[%get3A_557] {strides = array<i32>} : memref<2048xi32, #tpu.memory_space<vmem>>, vector<16xi32>,
    %eq3A_559 = arith.constant 102 : i32
    %eq3A_560 = vector.broadcast %eq3A_559 : i32 to vector<16xi32>
    %eq3A_561 = arith.cmpi eq, %get3A_558, %eq3A_560 : vector<16xi32>
    %select_n3A_562 = arith.select %eq3A_561, %broadcast_in_dim3A_33, %broadcast_in_dim3A_35 : vector<16xi1>, vector<16xi32>
    %add3A_563 = arith.addi %add3A_556, %select_n3A_562 : vector<16xi32>
    %get3A_564 = arith.constant 1152 : index
    %get3A_565 = tpu.vector_load %arg4[%get3A_564] {strides = array<i32>} : memref<2048xi32, #tpu.memory_space<vmem>>, vector<16xi32>,
    %eq3A_566 = arith.constant 102 : i32
    %eq3A_567 = vector.broadcast %eq3A_566 : i32 to vector<16xi32>
    %eq3A_568 = arith.cmpi eq, %get3A_565, %eq3A_567 : vector<16xi32>
    %select_n3A_569 = arith.select %eq3A_568, %broadcast_in_dim3A_33, %broadcast_in_dim3A_35 : vector<16xi1>, vector<16xi32>
    %add3A_570 = arith.addi %add3A_563, %select_n3A_569 : vector<16xi32>
    %get3A_571 = arith.constant 1168 : index
    %get3A_572 = tpu.vector_load %arg4[%get3A_571] {strides = array<i32>} : memref<2048xi32, #tpu.memory_space<vmem>>, vector<16xi32>,
    %eq3A_573 = arith.constant 102 : i32
    %eq3A_574 = vector.broadcast %eq3A_573 : i32 to vector<16xi32>
    %eq3A_575 = arith.cmpi eq, %get3A_572, %eq3A_574 : vector<16xi32>
    %select_n3A_576 = arith.select %eq3A_575, %broadcast_in_dim3A_33, %broadcast_in_dim3A_35 : vector<16xi1>, vector<16xi32>
    %add3A_577 = arith.addi %add3A_570, %select_n3A_576 : vector<16xi32>
    %get3A_578 = arith.constant 1184 : index
    %get3A_579 = tpu.vector_load %arg4[%get3A_578] {strides = array<i32>} : memref<2048xi32, #tpu.memory_space<vmem>>, vector<16xi32>,
    %eq3A_580 = arith.constant 102 : i32
    %eq3A_581 = vector.broadcast %eq3A_580 : i32 to vector<16xi32>
    %eq3A_582 = arith.cmpi eq, %get3A_579, %eq3A_581 : vector<16xi32>
    %select_n3A_583 = arith.select %eq3A_582, %broadcast_in_dim3A_33, %broadcast_in_dim3A_35 : vector<16xi1>, vector<16xi32>
    %add3A_584 = arith.addi %add3A_577, %select_n3A_583 : vector<16xi32>
    %get3A_585 = arith.constant 1200 : index
    %get3A_586 = tpu.vector_load %arg4[%get3A_585] {strides = array<i32>} : memref<2048xi32, #tpu.memory_space<vmem>>, vector<16xi32>,
    %eq3A_587 = arith.constant 102 : i32
    %eq3A_588 = vector.broadcast %eq3A_587 : i32 to vector<16xi32>
    %eq3A_589 = arith.cmpi eq, %get3A_586, %eq3A_588 : vector<16xi32>
    %select_n3A_590 = arith.select %eq3A_589, %broadcast_in_dim3A_33, %broadcast_in_dim3A_35 : vector<16xi1>, vector<16xi32>
    %add3A_591 = arith.addi %add3A_584, %select_n3A_590 : vector<16xi32>
    %get3A_592 = arith.constant 1216 : index
    %get3A_593 = tpu.vector_load %arg4[%get3A_592] {strides = array<i32>} : memref<2048xi32, #tpu.memory_space<vmem>>, vector<16xi32>,
    %eq3A_594 = arith.constant 102 : i32
    %eq3A_595 = vector.broadcast %eq3A_594 : i32 to vector<16xi32>
    %eq3A_596 = arith.cmpi eq, %get3A_593, %eq3A_595 : vector<16xi32>
    %select_n3A_597 = arith.select %eq3A_596, %broadcast_in_dim3A_33, %broadcast_in_dim3A_35 : vector<16xi1>, vector<16xi32>
    %add3A_598 = arith.addi %add3A_591, %select_n3A_597 : vector<16xi32>
    %get3A_599 = arith.constant 1232 : index
    %get3A_600 = tpu.vector_load %arg4[%get3A_599] {strides = array<i32>} : memref<2048xi32, #tpu.memory_space<vmem>>, vector<16xi32>,
    %eq3A_601 = arith.constant 102 : i32
    %eq3A_602 = vector.broadcast %eq3A_601 : i32 to vector<16xi32>
    %eq3A_603 = arith.cmpi eq, %get3A_600, %eq3A_602 : vector<16xi32>
    %select_n3A_604 = arith.select %eq3A_603, %broadcast_in_dim3A_33, %broadcast_in_dim3A_35 : vector<16xi1>, vector<16xi32>
    %add3A_605 = arith.addi %add3A_598, %select_n3A_604 : vector<16xi32>
    %get3A_606 = arith.constant 1248 : index
    %get3A_607 = tpu.vector_load %arg4[%get3A_606] {strides = array<i32>} : memref<2048xi32, #tpu.memory_space<vmem>>, vector<16xi32>,
    %eq3A_608 = arith.constant 102 : i32
    %eq3A_609 = vector.broadcast %eq3A_608 : i32 to vector<16xi32>
    %eq3A_610 = arith.cmpi eq, %get3A_607, %eq3A_609 : vector<16xi32>
    %select_n3A_611 = arith.select %eq3A_610, %broadcast_in_dim3A_33, %broadcast_in_dim3A_35 : vector<16xi1>, vector<16xi32>
    %add3A_612 = arith.addi %add3A_605, %select_n3A_611 : vector<16xi32>
    %get3A_613 = arith.constant 1264 : index
    %get3A_614 = tpu.vector_load %arg4[%get3A_613] {strides = array<i32>} : memref<2048xi32, #tpu.memory_space<vmem>>, vector<16xi32>,
    %eq3A_615 = arith.constant 102 : i32
    %eq3A_616 = vector.broadcast %eq3A_615 : i32 to vector<16xi32>
    %eq3A_617 = arith.cmpi eq, %get3A_614, %eq3A_616 : vector<16xi32>
    %select_n3A_618 = arith.select %eq3A_617, %broadcast_in_dim3A_33, %broadcast_in_dim3A_35 : vector<16xi1>, vector<16xi32>
    %add3A_619 = arith.addi %add3A_612, %select_n3A_618 : vector<16xi32>
    %get3A_620 = arith.constant 1280 : index
    %get3A_621 = tpu.vector_load %arg4[%get3A_620] {strides = array<i32>} : memref<2048xi32, #tpu.memory_space<vmem>>, vector<16xi32>,
    %eq3A_622 = arith.constant 102 : i32
    %eq3A_623 = vector.broadcast %eq3A_622 : i32 to vector<16xi32>
    %eq3A_624 = arith.cmpi eq, %get3A_621, %eq3A_623 : vector<16xi32>
    %select_n3A_625 = arith.select %eq3A_624, %broadcast_in_dim3A_33, %broadcast_in_dim3A_35 : vector<16xi1>, vector<16xi32>
    %add3A_626 = arith.addi %add3A_619, %select_n3A_625 : vector<16xi32>
    %get3A_627 = arith.constant 1296 : index
    %get3A_628 = tpu.vector_load %arg4[%get3A_627] {strides = array<i32>} : memref<2048xi32, #tpu.memory_space<vmem>>, vector<16xi32>,
    %eq3A_629 = arith.constant 102 : i32
    %eq3A_630 = vector.broadcast %eq3A_629 : i32 to vector<16xi32>
    %eq3A_631 = arith.cmpi eq, %get3A_628, %eq3A_630 : vector<16xi32>
    %select_n3A_632 = arith.select %eq3A_631, %broadcast_in_dim3A_33, %broadcast_in_dim3A_35 : vector<16xi1>, vector<16xi32>
    %add3A_633 = arith.addi %add3A_626, %select_n3A_632 : vector<16xi32>
    %get3A_634 = arith.constant 1312 : index
    %get3A_635 = tpu.vector_load %arg4[%get3A_634] {strides = array<i32>} : memref<2048xi32, #tpu.memory_space<vmem>>, vector<16xi32>,
    %eq3A_636 = arith.constant 102 : i32
    %eq3A_637 = vector.broadcast %eq3A_636 : i32 to vector<16xi32>
    %eq3A_638 = arith.cmpi eq, %get3A_635, %eq3A_637 : vector<16xi32>
    %select_n3A_639 = arith.select %eq3A_638, %broadcast_in_dim3A_33, %broadcast_in_dim3A_35 : vector<16xi1>, vector<16xi32>
    %add3A_640 = arith.addi %add3A_633, %select_n3A_639 : vector<16xi32>
    %get3A_641 = arith.constant 1328 : index
    %get3A_642 = tpu.vector_load %arg4[%get3A_641] {strides = array<i32>} : memref<2048xi32, #tpu.memory_space<vmem>>, vector<16xi32>,
    %eq3A_643 = arith.constant 102 : i32
    %eq3A_644 = vector.broadcast %eq3A_643 : i32 to vector<16xi32>
    %eq3A_645 = arith.cmpi eq, %get3A_642, %eq3A_644 : vector<16xi32>
    %select_n3A_646 = arith.select %eq3A_645, %broadcast_in_dim3A_33, %broadcast_in_dim3A_35 : vector<16xi1>, vector<16xi32>
    %add3A_647 = arith.addi %add3A_640, %select_n3A_646 : vector<16xi32>
    %get3A_648 = arith.constant 1344 : index
    %get3A_649 = tpu.vector_load %arg4[%get3A_648] {strides = array<i32>} : memref<2048xi32, #tpu.memory_space<vmem>>, vector<16xi32>,
    %eq3A_650 = arith.constant 102 : i32
    %eq3A_651 = vector.broadcast %eq3A_650 : i32 to vector<16xi32>
    %eq3A_652 = arith.cmpi eq, %get3A_649, %eq3A_651 : vector<16xi32>
    %select_n3A_653 = arith.select %eq3A_652, %broadcast_in_dim3A_33, %broadcast_in_dim3A_35 : vector<16xi1>, vector<16xi32>
    %add3A_654 = arith.addi %add3A_647, %select_n3A_653 : vector<16xi32>
    %get3A_655 = arith.constant 1360 : index
    %get3A_656 = tpu.vector_load %arg4[%get3A_655] {strides = array<i32>} : memref<2048xi32, #tpu.memory_space<vmem>>, vector<16xi32>,
    %eq3A_657 = arith.constant 102 : i32
    %eq3A_658 = vector.broadcast %eq3A_657 : i32 to vector<16xi32>
    %eq3A_659 = arith.cmpi eq, %get3A_656, %eq3A_658 : vector<16xi32>
    %select_n3A_660 = arith.select %eq3A_659, %broadcast_in_dim3A_33, %broadcast_in_dim3A_35 : vector<16xi1>, vector<16xi32>
    %add3A_661 = arith.addi %add3A_654, %select_n3A_660 : vector<16xi32>
    %get3A_662 = arith.constant 1376 : index
    %get3A_663 = tpu.vector_load %arg4[%get3A_662] {strides = array<i32>} : memref<2048xi32, #tpu.memory_space<vmem>>, vector<16xi32>,
    %eq3A_664 = arith.constant 102 : i32
    %eq3A_665 = vector.broadcast %eq3A_664 : i32 to vector<16xi32>
    %eq3A_666 = arith.cmpi eq, %get3A_663, %eq3A_665 : vector<16xi32>
    %select_n3A_667 = arith.select %eq3A_666, %broadcast_in_dim3A_33, %broadcast_in_dim3A_35 : vector<16xi1>, vector<16xi32>
    %add3A_668 = arith.addi %add3A_661, %select_n3A_667 : vector<16xi32>
    %get3A_669 = arith.constant 1392 : index
    %get3A_670 = tpu.vector_load %arg4[%get3A_669] {strides = array<i32>} : memref<2048xi32, #tpu.memory_space<vmem>>, vector<16xi32>,
    %eq3A_671 = arith.constant 102 : i32
    %eq3A_672 = vector.broadcast %eq3A_671 : i32 to vector<16xi32>
    %eq3A_673 = arith.cmpi eq, %get3A_670, %eq3A_672 : vector<16xi32>
    %select_n3A_674 = arith.select %eq3A_673, %broadcast_in_dim3A_33, %broadcast_in_dim3A_35 : vector<16xi1>, vector<16xi32>
    %add3A_675 = arith.addi %add3A_668, %select_n3A_674 : vector<16xi32>
    %get3A_676 = arith.constant 1408 : index
    %get3A_677 = tpu.vector_load %arg4[%get3A_676] {strides = array<i32>} : memref<2048xi32, #tpu.memory_space<vmem>>, vector<16xi32>,
    %eq3A_678 = arith.constant 102 : i32
    %eq3A_679 = vector.broadcast %eq3A_678 : i32 to vector<16xi32>
    %eq3A_680 = arith.cmpi eq, %get3A_677, %eq3A_679 : vector<16xi32>
    %select_n3A_681 = arith.select %eq3A_680, %broadcast_in_dim3A_33, %broadcast_in_dim3A_35 : vector<16xi1>, vector<16xi32>
    %add3A_682 = arith.addi %add3A_675, %select_n3A_681 : vector<16xi32>
    %get3A_683 = arith.constant 1424 : index
    %get3A_684 = tpu.vector_load %arg4[%get3A_683] {strides = array<i32>} : memref<2048xi32, #tpu.memory_space<vmem>>, vector<16xi32>,
    %eq3A_685 = arith.constant 102 : i32
    %eq3A_686 = vector.broadcast %eq3A_685 : i32 to vector<16xi32>
    %eq3A_687 = arith.cmpi eq, %get3A_684, %eq3A_686 : vector<16xi32>
    %select_n3A_688 = arith.select %eq3A_687, %broadcast_in_dim3A_33, %broadcast_in_dim3A_35 : vector<16xi1>, vector<16xi32>
    %add3A_689 = arith.addi %add3A_682, %select_n3A_688 : vector<16xi32>
    %get3A_690 = arith.constant 1440 : index
    %get3A_691 = tpu.vector_load %arg4[%get3A_690] {strides = array<i32>} : memref<2048xi32, #tpu.memory_space<vmem>>, vector<16xi32>,
    %eq3A_692 = arith.constant 102 : i32
    %eq3A_693 = vector.broadcast %eq3A_692 : i32 to vector<16xi32>
    %eq3A_694 = arith.cmpi eq, %get3A_691, %eq3A_693 : vector<16xi32>
    %select_n3A_695 = arith.select %eq3A_694, %broadcast_in_dim3A_33, %broadcast_in_dim3A_35 : vector<16xi1>, vector<16xi32>
    %add3A_696 = arith.addi %add3A_689, %select_n3A_695 : vector<16xi32>
    %get3A_697 = arith.constant 1456 : index
    %get3A_698 = tpu.vector_load %arg4[%get3A_697] {strides = array<i32>} : memref<2048xi32, #tpu.memory_space<vmem>>, vector<16xi32>,
    %eq3A_699 = arith.constant 102 : i32
    %eq3A_700 = vector.broadcast %eq3A_699 : i32 to vector<16xi32>
    %eq3A_701 = arith.cmpi eq, %get3A_698, %eq3A_700 : vector<16xi32>
    %select_n3A_702 = arith.select %eq3A_701, %broadcast_in_dim3A_33, %broadcast_in_dim3A_35 : vector<16xi1>, vector<16xi32>
    %add3A_703 = arith.addi %add3A_696, %select_n3A_702 : vector<16xi32>
    %get3A_704 = arith.constant 1472 : index
    %get3A_705 = tpu.vector_load %arg4[%get3A_704] {strides = array<i32>} : memref<2048xi32, #tpu.memory_space<vmem>>, vector<16xi32>,
    %eq3A_706 = arith.constant 102 : i32
    %eq3A_707 = vector.broadcast %eq3A_706 : i32 to vector<16xi32>
    %eq3A_708 = arith.cmpi eq, %get3A_705, %eq3A_707 : vector<16xi32>
    %select_n3A_709 = arith.select %eq3A_708, %broadcast_in_dim3A_33, %broadcast_in_dim3A_35 : vector<16xi1>, vector<16xi32>
    %add3A_710 = arith.addi %add3A_703, %select_n3A_709 : vector<16xi32>
    %get3A_711 = arith.constant 1488 : index
    %get3A_712 = tpu.vector_load %arg4[%get3A_711] {strides = array<i32>} : memref<2048xi32, #tpu.memory_space<vmem>>, vector<16xi32>,
    %eq3A_713 = arith.constant 102 : i32
    %eq3A_714 = vector.broadcast %eq3A_713 : i32 to vector<16xi32>
    %eq3A_715 = arith.cmpi eq, %get3A_712, %eq3A_714 : vector<16xi32>
    %select_n3A_716 = arith.select %eq3A_715, %broadcast_in_dim3A_33, %broadcast_in_dim3A_35 : vector<16xi1>, vector<16xi32>
    %add3A_717 = arith.addi %add3A_710, %select_n3A_716 : vector<16xi32>
    %get3A_718 = arith.constant 1504 : index
    %get3A_719 = tpu.vector_load %arg4[%get3A_718] {strides = array<i32>} : memref<2048xi32, #tpu.memory_space<vmem>>, vector<16xi32>,
    %eq3A_720 = arith.constant 102 : i32
    %eq3A_721 = vector.broadcast %eq3A_720 : i32 to vector<16xi32>
    %eq3A_722 = arith.cmpi eq, %get3A_719, %eq3A_721 : vector<16xi32>
    %select_n3A_723 = arith.select %eq3A_722, %broadcast_in_dim3A_33, %broadcast_in_dim3A_35 : vector<16xi1>, vector<16xi32>
    %add3A_724 = arith.addi %add3A_717, %select_n3A_723 : vector<16xi32>
    %get3A_725 = arith.constant 1520 : index
    %get3A_726 = tpu.vector_load %arg4[%get3A_725] {strides = array<i32>} : memref<2048xi32, #tpu.memory_space<vmem>>, vector<16xi32>,
    %eq3A_727 = arith.constant 102 : i32
    %eq3A_728 = vector.broadcast %eq3A_727 : i32 to vector<16xi32>
    %eq3A_729 = arith.cmpi eq, %get3A_726, %eq3A_728 : vector<16xi32>
    %select_n3A_730 = arith.select %eq3A_729, %broadcast_in_dim3A_33, %broadcast_in_dim3A_35 : vector<16xi1>, vector<16xi32>
    %add3A_731 = arith.addi %add3A_724, %select_n3A_730 : vector<16xi32>
    %get3A_732 = arith.constant 1536 : index
    %get3A_733 = tpu.vector_load %arg4[%get3A_732] {strides = array<i32>} : memref<2048xi32, #tpu.memory_space<vmem>>, vector<16xi32>,
    %eq3A_734 = arith.constant 102 : i32
    %eq3A_735 = vector.broadcast %eq3A_734 : i32 to vector<16xi32>
    %eq3A_736 = arith.cmpi eq, %get3A_733, %eq3A_735 : vector<16xi32>
    %select_n3A_737 = arith.select %eq3A_736, %broadcast_in_dim3A_33, %broadcast_in_dim3A_35 : vector<16xi1>, vector<16xi32>
    %add3A_738 = arith.addi %add3A_731, %select_n3A_737 : vector<16xi32>
    %get3A_739 = arith.constant 1552 : index
    %get3A_740 = tpu.vector_load %arg4[%get3A_739] {strides = array<i32>} : memref<2048xi32, #tpu.memory_space<vmem>>, vector<16xi32>,
    %eq3A_741 = arith.constant 102 : i32
    %eq3A_742 = vector.broadcast %eq3A_741 : i32 to vector<16xi32>
    %eq3A_743 = arith.cmpi eq, %get3A_740, %eq3A_742 : vector<16xi32>
    %select_n3A_744 = arith.select %eq3A_743, %broadcast_in_dim3A_33, %broadcast_in_dim3A_35 : vector<16xi1>, vector<16xi32>
    %add3A_745 = arith.addi %add3A_738, %select_n3A_744 : vector<16xi32>
    %get3A_746 = arith.constant 1568 : index
    %get3A_747 = tpu.vector_load %arg4[%get3A_746] {strides = array<i32>} : memref<2048xi32, #tpu.memory_space<vmem>>, vector<16xi32>,
    %eq3A_748 = arith.constant 102 : i32
    %eq3A_749 = vector.broadcast %eq3A_748 : i32 to vector<16xi32>
    %eq3A_750 = arith.cmpi eq, %get3A_747, %eq3A_749 : vector<16xi32>
    %select_n3A_751 = arith.select %eq3A_750, %broadcast_in_dim3A_33, %broadcast_in_dim3A_35 : vector<16xi1>, vector<16xi32>
    %add3A_752 = arith.addi %add3A_745, %select_n3A_751 : vector<16xi32>
    %get3A_753 = arith.constant 1584 : index
    %get3A_754 = tpu.vector_load %arg4[%get3A_753] {strides = array<i32>} : memref<2048xi32, #tpu.memory_space<vmem>>, vector<16xi32>,
    %eq3A_755 = arith.constant 102 : i32
    %eq3A_756 = vector.broadcast %eq3A_755 : i32 to vector<16xi32>
    %eq3A_757 = arith.cmpi eq, %get3A_754, %eq3A_756 : vector<16xi32>
    %select_n3A_758 = arith.select %eq3A_757, %broadcast_in_dim3A_33, %broadcast_in_dim3A_35 : vector<16xi1>, vector<16xi32>
    %add3A_759 = arith.addi %add3A_752, %select_n3A_758 : vector<16xi32>
    %get3A_760 = arith.constant 1600 : index
    %get3A_761 = tpu.vector_load %arg4[%get3A_760] {strides = array<i32>} : memref<2048xi32, #tpu.memory_space<vmem>>, vector<16xi32>,
    %eq3A_762 = arith.constant 102 : i32
    %eq3A_763 = vector.broadcast %eq3A_762 : i32 to vector<16xi32>
    %eq3A_764 = arith.cmpi eq, %get3A_761, %eq3A_763 : vector<16xi32>
    %select_n3A_765 = arith.select %eq3A_764, %broadcast_in_dim3A_33, %broadcast_in_dim3A_35 : vector<16xi1>, vector<16xi32>
    %add3A_766 = arith.addi %add3A_759, %select_n3A_765 : vector<16xi32>
    %get3A_767 = arith.constant 1616 : index
    %get3A_768 = tpu.vector_load %arg4[%get3A_767] {strides = array<i32>} : memref<2048xi32, #tpu.memory_space<vmem>>, vector<16xi32>,
    %eq3A_769 = arith.constant 102 : i32
    %eq3A_770 = vector.broadcast %eq3A_769 : i32 to vector<16xi32>
    %eq3A_771 = arith.cmpi eq, %get3A_768, %eq3A_770 : vector<16xi32>
    %select_n3A_772 = arith.select %eq3A_771, %broadcast_in_dim3A_33, %broadcast_in_dim3A_35 : vector<16xi1>, vector<16xi32>
    %add3A_773 = arith.addi %add3A_766, %select_n3A_772 : vector<16xi32>
    %get3A_774 = arith.constant 1632 : index
    %get3A_775 = tpu.vector_load %arg4[%get3A_774] {strides = array<i32>} : memref<2048xi32, #tpu.memory_space<vmem>>, vector<16xi32>,
    %eq3A_776 = arith.constant 102 : i32
    %eq3A_777 = vector.broadcast %eq3A_776 : i32 to vector<16xi32>
    %eq3A_778 = arith.cmpi eq, %get3A_775, %eq3A_777 : vector<16xi32>
    %select_n3A_779 = arith.select %eq3A_778, %broadcast_in_dim3A_33, %broadcast_in_dim3A_35 : vector<16xi1>, vector<16xi32>
    %add3A_780 = arith.addi %add3A_773, %select_n3A_779 : vector<16xi32>
    %get3A_781 = arith.constant 1648 : index
    %get3A_782 = tpu.vector_load %arg4[%get3A_781] {strides = array<i32>} : memref<2048xi32, #tpu.memory_space<vmem>>, vector<16xi32>,
    %eq3A_783 = arith.constant 102 : i32
    %eq3A_784 = vector.broadcast %eq3A_783 : i32 to vector<16xi32>
    %eq3A_785 = arith.cmpi eq, %get3A_782, %eq3A_784 : vector<16xi32>
    %select_n3A_786 = arith.select %eq3A_785, %broadcast_in_dim3A_33, %broadcast_in_dim3A_35 : vector<16xi1>, vector<16xi32>
    %add3A_787 = arith.addi %add3A_780, %select_n3A_786 : vector<16xi32>
    %get3A_788 = arith.constant 1664 : index
    %get3A_789 = tpu.vector_load %arg4[%get3A_788] {strides = array<i32>} : memref<2048xi32, #tpu.memory_space<vmem>>, vector<16xi32>,
    %eq3A_790 = arith.constant 102 : i32
    %eq3A_791 = vector.broadcast %eq3A_790 : i32 to vector<16xi32>
    %eq3A_792 = arith.cmpi eq, %get3A_789, %eq3A_791 : vector<16xi32>
    %select_n3A_793 = arith.select %eq3A_792, %broadcast_in_dim3A_33, %broadcast_in_dim3A_35 : vector<16xi1>, vector<16xi32>
    %add3A_794 = arith.addi %add3A_787, %select_n3A_793 : vector<16xi32>
    %get3A_795 = arith.constant 1680 : index
    %get3A_796 = tpu.vector_load %arg4[%get3A_795] {strides = array<i32>} : memref<2048xi32, #tpu.memory_space<vmem>>, vector<16xi32>,
    %eq3A_797 = arith.constant 102 : i32
    %eq3A_798 = vector.broadcast %eq3A_797 : i32 to vector<16xi32>
    %eq3A_799 = arith.cmpi eq, %get3A_796, %eq3A_798 : vector<16xi32>
    %select_n3A_800 = arith.select %eq3A_799, %broadcast_in_dim3A_33, %broadcast_in_dim3A_35 : vector<16xi1>, vector<16xi32>
    %add3A_801 = arith.addi %add3A_794, %select_n3A_800 : vector<16xi32>
    %get3A_802 = arith.constant 1696 : index
    %get3A_803 = tpu.vector_load %arg4[%get3A_802] {strides = array<i32>} : memref<2048xi32, #tpu.memory_space<vmem>>, vector<16xi32>,
    %eq3A_804 = arith.constant 102 : i32
    %eq3A_805 = vector.broadcast %eq3A_804 : i32 to vector<16xi32>
    %eq3A_806 = arith.cmpi eq, %get3A_803, %eq3A_805 : vector<16xi32>
    %select_n3A_807 = arith.select %eq3A_806, %broadcast_in_dim3A_33, %broadcast_in_dim3A_35 : vector<16xi1>, vector<16xi32>
    %add3A_808 = arith.addi %add3A_801, %select_n3A_807 : vector<16xi32>
    %get3A_809 = arith.constant 1712 : index
    %get3A_810 = tpu.vector_load %arg4[%get3A_809] {strides = array<i32>} : memref<2048xi32, #tpu.memory_space<vmem>>, vector<16xi32>,
    %eq3A_811 = arith.constant 102 : i32
    %eq3A_812 = vector.broadcast %eq3A_811 : i32 to vector<16xi32>
    %eq3A_813 = arith.cmpi eq, %get3A_810, %eq3A_812 : vector<16xi32>
    %select_n3A_814 = arith.select %eq3A_813, %broadcast_in_dim3A_33, %broadcast_in_dim3A_35 : vector<16xi1>, vector<16xi32>
    %add3A_815 = arith.addi %add3A_808, %select_n3A_814 : vector<16xi32>
    %get3A_816 = arith.constant 1728 : index
    %get3A_817 = tpu.vector_load %arg4[%get3A_816] {strides = array<i32>} : memref<2048xi32, #tpu.memory_space<vmem>>, vector<16xi32>,
    %eq3A_818 = arith.constant 102 : i32
    %eq3A_819 = vector.broadcast %eq3A_818 : i32 to vector<16xi32>
    %eq3A_820 = arith.cmpi eq, %get3A_817, %eq3A_819 : vector<16xi32>
    %select_n3A_821 = arith.select %eq3A_820, %broadcast_in_dim3A_33, %broadcast_in_dim3A_35 : vector<16xi1>, vector<16xi32>
    %add3A_822 = arith.addi %add3A_815, %select_n3A_821 : vector<16xi32>
    %get3A_823 = arith.constant 1744 : index
    %get3A_824 = tpu.vector_load %arg4[%get3A_823] {strides = array<i32>} : memref<2048xi32, #tpu.memory_space<vmem>>, vector<16xi32>,
    %eq3A_825 = arith.constant 102 : i32
    %eq3A_826 = vector.broadcast %eq3A_825 : i32 to vector<16xi32>
    %eq3A_827 = arith.cmpi eq, %get3A_824, %eq3A_826 : vector<16xi32>
    %select_n3A_828 = arith.select %eq3A_827, %broadcast_in_dim3A_33, %broadcast_in_dim3A_35 : vector<16xi1>, vector<16xi32>
    %add3A_829 = arith.addi %add3A_822, %select_n3A_828 : vector<16xi32>
    %get3A_830 = arith.constant 1760 : index
    %get3A_831 = tpu.vector_load %arg4[%get3A_830] {strides = array<i32>} : memref<2048xi32, #tpu.memory_space<vmem>>, vector<16xi32>,
    %eq3A_832 = arith.constant 102 : i32
    %eq3A_833 = vector.broadcast %eq3A_832 : i32 to vector<16xi32>
    %eq3A_834 = arith.cmpi eq, %get3A_831, %eq3A_833 : vector<16xi32>
    %select_n3A_835 = arith.select %eq3A_834, %broadcast_in_dim3A_33, %broadcast_in_dim3A_35 : vector<16xi1>, vector<16xi32>
    %add3A_836 = arith.addi %add3A_829, %select_n3A_835 : vector<16xi32>
    %get3A_837 = arith.constant 1776 : index
    %get3A_838 = tpu.vector_load %arg4[%get3A_837] {strides = array<i32>} : memref<2048xi32, #tpu.memory_space<vmem>>, vector<16xi32>,
    %eq3A_839 = arith.constant 102 : i32
    %eq3A_840 = vector.broadcast %eq3A_839 : i32 to vector<16xi32>
    %eq3A_841 = arith.cmpi eq, %get3A_838, %eq3A_840 : vector<16xi32>
    %select_n3A_842 = arith.select %eq3A_841, %broadcast_in_dim3A_33, %broadcast_in_dim3A_35 : vector<16xi1>, vector<16xi32>
    %add3A_843 = arith.addi %add3A_836, %select_n3A_842 : vector<16xi32>
    %get3A_844 = arith.constant 1792 : index
    %get3A_845 = tpu.vector_load %arg4[%get3A_844] {strides = array<i32>} : memref<2048xi32, #tpu.memory_space<vmem>>, vector<16xi32>,
    %eq3A_846 = arith.constant 102 : i32
    %eq3A_847 = vector.broadcast %eq3A_846 : i32 to vector<16xi32>
    %eq3A_848 = arith.cmpi eq, %get3A_845, %eq3A_847 : vector<16xi32>
    %select_n3A_849 = arith.select %eq3A_848, %broadcast_in_dim3A_33, %broadcast_in_dim3A_35 : vector<16xi1>, vector<16xi32>
    %add3A_850 = arith.addi %add3A_843, %select_n3A_849 : vector<16xi32>
    %get3A_851 = arith.constant 1808 : index
    %get3A_852 = tpu.vector_load %arg4[%get3A_851] {strides = array<i32>} : memref<2048xi32, #tpu.memory_space<vmem>>, vector<16xi32>,
    %eq3A_853 = arith.constant 102 : i32
    %eq3A_854 = vector.broadcast %eq3A_853 : i32 to vector<16xi32>
    %eq3A_855 = arith.cmpi eq, %get3A_852, %eq3A_854 : vector<16xi32>
    %select_n3A_856 = arith.select %eq3A_855, %broadcast_in_dim3A_33, %broadcast_in_dim3A_35 : vector<16xi1>, vector<16xi32>
    %add3A_857 = arith.addi %add3A_850, %select_n3A_856 : vector<16xi32>
    %get3A_858 = arith.constant 1824 : index
    %get3A_859 = tpu.vector_load %arg4[%get3A_858] {strides = array<i32>} : memref<2048xi32, #tpu.memory_space<vmem>>, vector<16xi32>,
    %eq3A_860 = arith.constant 102 : i32
    %eq3A_861 = vector.broadcast %eq3A_860 : i32 to vector<16xi32>
    %eq3A_862 = arith.cmpi eq, %get3A_859, %eq3A_861 : vector<16xi32>
    %select_n3A_863 = arith.select %eq3A_862, %broadcast_in_dim3A_33, %broadcast_in_dim3A_35 : vector<16xi1>, vector<16xi32>
    %add3A_864 = arith.addi %add3A_857, %select_n3A_863 : vector<16xi32>
    %get3A_865 = arith.constant 1840 : index
    %get3A_866 = tpu.vector_load %arg4[%get3A_865] {strides = array<i32>} : memref<2048xi32, #tpu.memory_space<vmem>>, vector<16xi32>,
    %eq3A_867 = arith.constant 102 : i32
    %eq3A_868 = vector.broadcast %eq3A_867 : i32 to vector<16xi32>
    %eq3A_869 = arith.cmpi eq, %get3A_866, %eq3A_868 : vector<16xi32>
    %select_n3A_870 = arith.select %eq3A_869, %broadcast_in_dim3A_33, %broadcast_in_dim3A_35 : vector<16xi1>, vector<16xi32>
    %add3A_871 = arith.addi %add3A_864, %select_n3A_870 : vector<16xi32>
    %get3A_872 = arith.constant 1856 : index
    %get3A_873 = tpu.vector_load %arg4[%get3A_872] {strides = array<i32>} : memref<2048xi32, #tpu.memory_space<vmem>>, vector<16xi32>,
    %eq3A_874 = arith.constant 102 : i32
    %eq3A_875 = vector.broadcast %eq3A_874 : i32 to vector<16xi32>
    %eq3A_876 = arith.cmpi eq, %get3A_873, %eq3A_875 : vector<16xi32>
    %select_n3A_877 = arith.select %eq3A_876, %broadcast_in_dim3A_33, %broadcast_in_dim3A_35 : vector<16xi1>, vector<16xi32>
    %add3A_878 = arith.addi %add3A_871, %select_n3A_877 : vector<16xi32>
    %get3A_879 = arith.constant 1872 : index
    %get3A_880 = tpu.vector_load %arg4[%get3A_879] {strides = array<i32>} : memref<2048xi32, #tpu.memory_space<vmem>>, vector<16xi32>,
    %eq3A_881 = arith.constant 102 : i32
    %eq3A_882 = vector.broadcast %eq3A_881 : i32 to vector<16xi32>
    %eq3A_883 = arith.cmpi eq, %get3A_880, %eq3A_882 : vector<16xi32>
    %select_n3A_884 = arith.select %eq3A_883, %broadcast_in_dim3A_33, %broadcast_in_dim3A_35 : vector<16xi1>, vector<16xi32>
    %add3A_885 = arith.addi %add3A_878, %select_n3A_884 : vector<16xi32>
    %get3A_886 = arith.constant 1888 : index
    %get3A_887 = tpu.vector_load %arg4[%get3A_886] {strides = array<i32>} : memref<2048xi32, #tpu.memory_space<vmem>>, vector<16xi32>,
    %eq3A_888 = arith.constant 102 : i32
    %eq3A_889 = vector.broadcast %eq3A_888 : i32 to vector<16xi32>
    %eq3A_890 = arith.cmpi eq, %get3A_887, %eq3A_889 : vector<16xi32>
    %select_n3A_891 = arith.select %eq3A_890, %broadcast_in_dim3A_33, %broadcast_in_dim3A_35 : vector<16xi1>, vector<16xi32>
    %add3A_892 = arith.addi %add3A_885, %select_n3A_891 : vector<16xi32>
    %get3A_893 = arith.constant 1904 : index
    %get3A_894 = tpu.vector_load %arg4[%get3A_893] {strides = array<i32>} : memref<2048xi32, #tpu.memory_space<vmem>>, vector<16xi32>,
    %eq3A_895 = arith.constant 102 : i32
    %eq3A_896 = vector.broadcast %eq3A_895 : i32 to vector<16xi32>
    %eq3A_897 = arith.cmpi eq, %get3A_894, %eq3A_896 : vector<16xi32>
    %select_n3A_898 = arith.select %eq3A_897, %broadcast_in_dim3A_33, %broadcast_in_dim3A_35 : vector<16xi1>, vector<16xi32>
    %add3A_899 = arith.addi %add3A_892, %select_n3A_898 : vector<16xi32>
    %get3A_900 = arith.constant 1920 : index
    %get3A_901 = tpu.vector_load %arg4[%get3A_900] {strides = array<i32>} : memref<2048xi32, #tpu.memory_space<vmem>>, vector<16xi32>,
    %eq3A_902 = arith.constant 102 : i32
    %eq3A_903 = vector.broadcast %eq3A_902 : i32 to vector<16xi32>
    %eq3A_904 = arith.cmpi eq, %get3A_901, %eq3A_903 : vector<16xi32>
    %select_n3A_905 = arith.select %eq3A_904, %broadcast_in_dim3A_33, %broadcast_in_dim3A_35 : vector<16xi1>, vector<16xi32>
    %add3A_906 = arith.addi %add3A_899, %select_n3A_905 : vector<16xi32>
    %get3A_907 = arith.constant 1936 : index
    %get3A_908 = tpu.vector_load %arg4[%get3A_907] {strides = array<i32>} : memref<2048xi32, #tpu.memory_space<vmem>>, vector<16xi32>,
    %eq3A_909 = arith.constant 102 : i32
    %eq3A_910 = vector.broadcast %eq3A_909 : i32 to vector<16xi32>
    %eq3A_911 = arith.cmpi eq, %get3A_908, %eq3A_910 : vector<16xi32>
    %select_n3A_912 = arith.select %eq3A_911, %broadcast_in_dim3A_33, %broadcast_in_dim3A_35 : vector<16xi1>, vector<16xi32>
    %add3A_913 = arith.addi %add3A_906, %select_n3A_912 : vector<16xi32>
    %get3A_914 = arith.constant 1952 : index
    %get3A_915 = tpu.vector_load %arg4[%get3A_914] {strides = array<i32>} : memref<2048xi32, #tpu.memory_space<vmem>>, vector<16xi32>,
    %eq3A_916 = arith.constant 102 : i32
    %eq3A_917 = vector.broadcast %eq3A_916 : i32 to vector<16xi32>
    %eq3A_918 = arith.cmpi eq, %get3A_915, %eq3A_917 : vector<16xi32>
    %select_n3A_919 = arith.select %eq3A_918, %broadcast_in_dim3A_33, %broadcast_in_dim3A_35 : vector<16xi1>, vector<16xi32>
    %add3A_920 = arith.addi %add3A_913, %select_n3A_919 : vector<16xi32>
    %get3A_921 = arith.constant 1968 : index
    %get3A_922 = tpu.vector_load %arg4[%get3A_921] {strides = array<i32>} : memref<2048xi32, #tpu.memory_space<vmem>>, vector<16xi32>,
    %eq3A_923 = arith.constant 102 : i32
    %eq3A_924 = vector.broadcast %eq3A_923 : i32 to vector<16xi32>
    %eq3A_925 = arith.cmpi eq, %get3A_922, %eq3A_924 : vector<16xi32>
    %select_n3A_926 = arith.select %eq3A_925, %broadcast_in_dim3A_33, %broadcast_in_dim3A_35 : vector<16xi1>, vector<16xi32>
    %add3A_927 = arith.addi %add3A_920, %select_n3A_926 : vector<16xi32>
    %get3A_928 = arith.constant 1984 : index
    %get3A_929 = tpu.vector_load %arg4[%get3A_928] {strides = array<i32>} : memref<2048xi32, #tpu.memory_space<vmem>>, vector<16xi32>,
    %eq3A_930 = arith.constant 102 : i32
    %eq3A_931 = vector.broadcast %eq3A_930 : i32 to vector<16xi32>
    %eq3A_932 = arith.cmpi eq, %get3A_929, %eq3A_931 : vector<16xi32>
    %select_n3A_933 = arith.select %eq3A_932, %broadcast_in_dim3A_33, %broadcast_in_dim3A_35 : vector<16xi1>, vector<16xi32>
    %add3A_934 = arith.addi %add3A_927, %select_n3A_933 : vector<16xi32>
    %get3A_935 = arith.constant 2000 : index
    %get3A_936 = tpu.vector_load %arg4[%get3A_935] {strides = array<i32>} : memref<2048xi32, #tpu.memory_space<vmem>>, vector<16xi32>,
    %eq3A_937 = arith.constant 102 : i32
    %eq3A_938 = vector.broadcast %eq3A_937 : i32 to vector<16xi32>
    %eq3A_939 = arith.cmpi eq, %get3A_936, %eq3A_938 : vector<16xi32>
    %select_n3A_940 = arith.select %eq3A_939, %broadcast_in_dim3A_33, %broadcast_in_dim3A_35 : vector<16xi1>, vector<16xi32>
    %add3A_941 = arith.addi %add3A_934, %select_n3A_940 : vector<16xi32>
    %get3A_942 = arith.constant 2016 : index
    %get3A_943 = tpu.vector_load %arg4[%get3A_942] {strides = array<i32>} : memref<2048xi32, #tpu.memory_space<vmem>>, vector<16xi32>,
    %eq3A_944 = arith.constant 102 : i32
    %eq3A_945 = vector.broadcast %eq3A_944 : i32 to vector<16xi32>
    %eq3A_946 = arith.cmpi eq, %get3A_943, %eq3A_945 : vector<16xi32>
    %select_n3A_947 = arith.select %eq3A_946, %broadcast_in_dim3A_33, %broadcast_in_dim3A_35 : vector<16xi1>, vector<16xi32>
    %add3A_948 = arith.addi %add3A_941, %select_n3A_947 : vector<16xi32>
    %get3A_949 = arith.constant 2032 : index
    %get3A_950 = tpu.vector_load %arg4[%get3A_949] {strides = array<i32>} : memref<2048xi32, #tpu.memory_space<vmem>>, vector<16xi32>,
    %eq3A_951 = arith.constant 102 : i32
    %eq3A_952 = vector.broadcast %eq3A_951 : i32 to vector<16xi32>
    %eq3A_953 = arith.cmpi eq, %get3A_950, %eq3A_952 : vector<16xi32>
    %select_n3A_954 = arith.select %eq3A_953, %broadcast_in_dim3A_33, %broadcast_in_dim3A_35 : vector<16xi1>, vector<16xi32>
    %add3A_955 = arith.addi %add3A_948, %select_n3A_954 : vector<16xi32>
    %iota3A_956 = tpu.iota {dimensions = array<i32: 0>} : vector<16xi32>
    %swap3A_957 = arith.constant 0 : index
    %swap3A_958 = tpu.vector_load %arg7[%swap3A_957] {strides = array<i32>} : memref<16xi32, #tpu.memory_space<vmem>>, vector<16xi32>,
    tpu.vector_store %arg7[%swap3A_957], %add3A_955 {strides = array<i32>} : memref<16xi32, #tpu.memory_space<vmem>>, vector<16xi32>,
    %xor3A_959 = arith.constant 8 : i32
    %xor3A_960 = vector.broadcast %xor3A_959 : i32 to vector<16xi32>
    %xor3A_961 = arith.xori %iota3A_956, %xor3A_960 : vector<16xi32>
    %gather3A_962 = tpu.vector_load_idx %arg7[%xor3A_961] : memref<16xi32, #tpu.memory_space<vmem>>[vector<16xi32>], vector<16xi32>,
    %add3A_963 = arith.addi %add3A_955, %gather3A_962 : vector<16xi32>
    %swap3A_964 = arith.constant 0 : index
    %swap3A_965 = tpu.vector_load %arg7[%swap3A_964] {strides = array<i32>} : memref<16xi32, #tpu.memory_space<vmem>>, vector<16xi32>,
    tpu.vector_store %arg7[%swap3A_964], %add3A_963 {strides = array<i32>} : memref<16xi32, #tpu.memory_space<vmem>>, vector<16xi32>,
    %xor3A_966 = arith.constant 4 : i32
    %xor3A_967 = vector.broadcast %xor3A_966 : i32 to vector<16xi32>
    %xor3A_968 = arith.xori %iota3A_956, %xor3A_967 : vector<16xi32>
    %gather3A_969 = tpu.vector_load_idx %arg7[%xor3A_968] : memref<16xi32, #tpu.memory_space<vmem>>[vector<16xi32>], vector<16xi32>,
    %add3A_970 = arith.addi %add3A_963, %gather3A_969 : vector<16xi32>
    %swap3A_971 = arith.constant 0 : index
    %swap3A_972 = tpu.vector_load %arg7[%swap3A_971] {strides = array<i32>} : memref<16xi32, #tpu.memory_space<vmem>>, vector<16xi32>,
    tpu.vector_store %arg7[%swap3A_971], %add3A_970 {strides = array<i32>} : memref<16xi32, #tpu.memory_space<vmem>>, vector<16xi32>,
    %xor3A_973 = arith.constant 2 : i32
    %xor3A_974 = vector.broadcast %xor3A_973 : i32 to vector<16xi32>
    %xor3A_975 = arith.xori %iota3A_956, %xor3A_974 : vector<16xi32>
    %gather3A_976 = tpu.vector_load_idx %arg7[%xor3A_975] : memref<16xi32, #tpu.memory_space<vmem>>[vector<16xi32>], vector<16xi32>,
    %add3A_977 = arith.addi %add3A_970, %gather3A_976 : vector<16xi32>
    %swap3A_978 = arith.constant 0 : index
    %swap3A_979 = tpu.vector_load %arg7[%swap3A_978] {strides = array<i32>} : memref<16xi32, #tpu.memory_space<vmem>>, vector<16xi32>,
    tpu.vector_store %arg7[%swap3A_978], %add3A_977 {strides = array<i32>} : memref<16xi32, #tpu.memory_space<vmem>>, vector<16xi32>,
    %xor3A_980 = arith.constant 1 : i32
    %xor3A_981 = vector.broadcast %xor3A_980 : i32 to vector<16xi32>
    %xor3A_982 = arith.xori %iota3A_956, %xor3A_981 : vector<16xi32>
    %gather3A_983 = tpu.vector_load_idx %arg7[%xor3A_982] : memref<16xi32, #tpu.memory_space<vmem>>[vector<16xi32>], vector<16xi32>,
    %add3A_984 = arith.addi %add3A_977, %gather3A_983 : vector<16xi32>
    %add3A_985 = arith.addi %add3A_507, %add3A_984 : vector<16xi32>
    %swap3A_986 = arith.constant 0 : index
    %swap3A_987 = tpu.vector_load %arg6[%swap3A_986] {strides = array<i32>} : memref<16xi32, #tpu.memory_space<vmem>>, vector<16xi32>,
    tpu.vector_store %arg6[%swap3A_986], %add3A_985 {strides = array<i32>} : memref<16xi32, #tpu.memory_space<vmem>>, vector<16xi32>,
    %mul3A_988 = arith.constant 16 : i32
    %mul3A_989 = arith.muli %arg1, %mul3A_988 : i32
    "tpu.region"() ({
      %run_scoped3A = tpu.sem_alloc : memref<!tpu.dma_semaphore, #tpu.memory_space<semaphore_mem>>
      %dma_start3A = tpu.memref_slice %arg9[%mul3A_989] : memref<256xi32, #tpu.memory_space<vmem_shared>> -> memref<16xi32, #tpu.memory_space<vmem_shared>>
      %dma_start3A_1140 = tpu.memref_slice %arg9[%mul3A_989] : memref<256xi32, #tpu.memory_space<vmem_shared>> -> memref<16xi32, #tpu.memory_space<vmem_shared>>
      tpu.enqueue_dma source(%arg6 : memref<16xi32, #tpu.memory_space<vmem>>) target(%dma_start3A_1140 : memref<16xi32, #tpu.memory_space<vmem_shared>>) target_semaphore(%run_scoped3A : memref<!tpu.dma_semaphore, #tpu.memory_space<semaphore_mem>>)
      %dma_wait3A = tpu.memref_slice %arg9[%mul3A_989] : memref<256xi32, #tpu.memory_space<vmem_shared>> -> memref<16xi32, #tpu.memory_space<vmem_shared>>
      %dma_wait3A_1141 = tpu.memref_slice %arg9[%mul3A_989] : memref<256xi32, #tpu.memory_space<vmem_shared>> -> memref<16xi32, #tpu.memory_space<vmem_shared>>
      tpu.wait_dma2 semaphore(%run_scoped3A : memref<!tpu.dma_semaphore, #tpu.memory_space<semaphore_mem>>) src(%arg6 : memref<16xi32, #tpu.memory_space<vmem>>) dst(%dma_wait3A_1141 : memref<16xi32, #tpu.memory_space<vmem_shared>>)
      tpu.yield
    }) : () -> ()
    %barrier3A = arith.constant 0 : index
    tpu.barrier barrier_id(%barrier3A)
    "tpu.region"() ({
      %run_scoped3A = tpu.sem_alloc : memref<!tpu.dma_semaphore, #tpu.memory_space<semaphore_mem>>
      tpu.enqueue_dma source(%arg9 : memref<256xi32, #tpu.memory_space<vmem_shared>>) target(%arg5 : memref<256xi32, #tpu.memory_space<vmem>>) target_semaphore(%run_scoped3A : memref<!tpu.dma_semaphore, #tpu.memory_space<semaphore_mem>>)
      tpu.wait_dma2 semaphore(%run_scoped3A : memref<!tpu.dma_semaphore, #tpu.memory_space<semaphore_mem>>) src(%arg9 : memref<256xi32, #tpu.memory_space<vmem_shared>>) dst(%arg5 : memref<256xi32, #tpu.memory_space<vmem>>)
      tpu.yield
    }) : () -> ()
    %jit3A_990 = arith.constant 4 : i32
    %div3A_991 = arith.divsi %arg1, %jit3A_990 : i32
    %sign3A_992 = arith.constant 0 : i32
    %sign3A_993 = arith.cmpi sgt, %arg1, %sign3A_992 : i32
    %sign3A_994 = arith.extui %sign3A_993 : i1 to i32
    %sign3A_995 = arith.constant 0 : i32
    %sign3A_996 = arith.cmpi slt, %arg1, %sign3A_995 : i32
    %sign3A_997 = arith.extui %sign3A_996 : i1 to i32
    %sign3A_998 = arith.subi %sign3A_994, %sign3A_997 : i32
    %sign3A_999 = arith.constant 0 : i32
    %sign3A_1000 = arith.cmpi sgt, %jit3A_990, %sign3A_999 : i32
    %sign3A_1001 = arith.extui %sign3A_1000 : i1 to i32
    %sign3A_1002 = arith.constant 0 : i32
    %sign3A_1003 = arith.cmpi slt, %jit3A_990, %sign3A_1002 : i32
    %sign3A_1004 = arith.extui %sign3A_1003 : i1 to i32
    %sign3A_1005 = arith.subi %sign3A_1001, %sign3A_1004 : i32
    %ne3A_1006 = arith.cmpi ne, %sign3A_998, %sign3A_1005 : i32
    %rem3A_1007 = arith.remsi %arg1, %jit3A_990 : i32
    %ne3A_1008 = arith.constant 0 : i32
    %ne3A_1009 = arith.cmpi ne, %rem3A_1007, %ne3A_1008 : i32
    %and3A_1010 = arith.andi %ne3A_1006, %ne3A_1009 : i1
    %sub3A_1011 = arith.constant 1 : i32
    %sub3A_1012 = arith.subi %div3A_991, %sub3A_1011 : i32
    %select_n3A_1013 = arith.select %and3A_1010, %sub3A_1012, %div3A_991 : i32
    %mul3A_1014 = arith.constant 4 : i32
    %mul3A_1015 = arith.muli %select_n3A_1013, %mul3A_1014 : i32
    %add3A_1016 = arith.constant 0 : i32
    %add3A_1017 = arith.addi %mul3A_1015, %add3A_1016 : i32
    %mul3A_1018 = arith.constant 16 : i32
    %mul3A_1019 = arith.muli %add3A_1017, %mul3A_1018 : i32
    %get3A_1020 = arith.index_cast %mul3A_1019 : i32 to index
    %get3A_1021 = tpu.vector_load %arg5[%get3A_1020] {strides = array<i32>} : memref<256xi32, #tpu.memory_space<vmem>>, vector<16xi32>,
    %broadcast_in_dim3A_1022 = arith.constant 0 : i32
    %broadcast_in_dim3A_1023 = vector.broadcast %broadcast_in_dim3A_1022 : i32 to vector<16xi32>
    %lt3A_1024 = vector.broadcast %select_n3A_28 : i32 to vector<16xi32>
    %lt3A_1025 = arith.cmpi slt, %broadcast_in_dim3A_1023, %lt3A_1024 : vector<16xi32>
    %select_n3A_1026 = arith.select %lt3A_1025, %get3A_1021, %broadcast_in_dim3A_35 : vector<16xi1>, vector<16xi32>
    %add3A_1027 = arith.addi %broadcast_in_dim3A_35, %select_n3A_1026 : vector<16xi32>
    %add3A_1028 = arith.constant 1 : i32
    %add3A_1029 = arith.addi %mul3A_1015, %add3A_1028 : i32
    %mul3A_1030 = arith.constant 16 : i32
    %mul3A_1031 = arith.muli %add3A_1029, %mul3A_1030 : i32
    %get3A_1032 = arith.index_cast %mul3A_1031 : i32 to index
    %get3A_1033 = tpu.vector_load %arg5[%get3A_1032] {strides = array<i32>} : memref<256xi32, #tpu.memory_space<vmem>>, vector<16xi32>,
    %broadcast_in_dim3A_1034 = arith.constant 1 : i32
    %broadcast_in_dim3A_1035 = vector.broadcast %broadcast_in_dim3A_1034 : i32 to vector<16xi32>
    %lt3A_1036 = vector.broadcast %select_n3A_28 : i32 to vector<16xi32>
    %lt3A_1037 = arith.cmpi slt, %broadcast_in_dim3A_1035, %lt3A_1036 : vector<16xi32>
    %select_n3A_1038 = arith.select %lt3A_1037, %get3A_1033, %broadcast_in_dim3A_35 : vector<16xi1>, vector<16xi32>
    %add3A_1039 = arith.addi %add3A_1027, %select_n3A_1038 : vector<16xi32>
    %add3A_1040 = arith.constant 2 : i32
    %add3A_1041 = arith.addi %mul3A_1015, %add3A_1040 : i32
    %mul3A_1042 = arith.constant 16 : i32
    %mul3A_1043 = arith.muli %add3A_1041, %mul3A_1042 : i32
    %get3A_1044 = arith.index_cast %mul3A_1043 : i32 to index
    %get3A_1045 = tpu.vector_load %arg5[%get3A_1044] {strides = array<i32>} : memref<256xi32, #tpu.memory_space<vmem>>, vector<16xi32>,
    %broadcast_in_dim3A_1046 = arith.constant 2 : i32
    %broadcast_in_dim3A_1047 = vector.broadcast %broadcast_in_dim3A_1046 : i32 to vector<16xi32>
    %lt3A_1048 = vector.broadcast %select_n3A_28 : i32 to vector<16xi32>
    %lt3A_1049 = arith.cmpi slt, %broadcast_in_dim3A_1047, %lt3A_1048 : vector<16xi32>
    %select_n3A_1050 = arith.select %lt3A_1049, %get3A_1045, %broadcast_in_dim3A_35 : vector<16xi1>, vector<16xi32>
    %add3A_1051 = arith.addi %add3A_1039, %select_n3A_1050 : vector<16xi32>
    %add3A_1052 = arith.constant 3 : i32
    %add3A_1053 = arith.addi %mul3A_1015, %add3A_1052 : i32
    %mul3A_1054 = arith.constant 16 : i32
    %mul3A_1055 = arith.muli %add3A_1053, %mul3A_1054 : i32
    %get3A_1056 = arith.index_cast %mul3A_1055 : i32 to index
    %get3A_1057 = tpu.vector_load %arg5[%get3A_1056] {strides = array<i32>} : memref<256xi32, #tpu.memory_space<vmem>>, vector<16xi32>,
    %broadcast_in_dim3A_1058 = arith.constant 3 : i32
    %broadcast_in_dim3A_1059 = vector.broadcast %broadcast_in_dim3A_1058 : i32 to vector<16xi32>
    %lt3A_1060 = vector.broadcast %select_n3A_28 : i32 to vector<16xi32>
    %lt3A_1061 = arith.cmpi slt, %broadcast_in_dim3A_1059, %lt3A_1060 : vector<16xi32>
    %select_n3A_1062 = arith.select %lt3A_1061, %get3A_1057, %broadcast_in_dim3A_35 : vector<16xi1>, vector<16xi32>
    %add3A_1063 = arith.addi %add3A_1051, %select_n3A_1062 : vector<16xi32>
    %add3A_1064 = arith.addi %add3A_1063, %add3A_507 : vector<16xi32>
    %add3A_1065 = arith.addi %add3A_1064, %add3A_984 : vector<16xi32>
    %min3A = arith.constant 8128 : i32
    %min3A_1066 = vector.broadcast %min3A : i32 to vector<16xi32>
    %min3A_1067 = arith.minsi %add3A_1063, %min3A_1066 : vector<16xi32>
    %shift_right_arithmetic3A = arith.constant 5 : i32
    %shift_right_arithmetic3A_1068 = vector.broadcast %shift_right_arithmetic3A : i32 to vector<16xi32>
    %shift_right_arithmetic3A_1069 = arith.shrsi %min3A_1067, %shift_right_arithmetic3A_1068 : vector<16xi32>
    %min3A_1070 = arith.constant 8128 : i32
    %min3A_1071 = vector.broadcast %min3A_1070 : i32 to vector<16xi32>
    %min3A_1072 = arith.minsi %add3A_1064, %min3A_1071 : vector<16xi32>
    %shift_right_arithmetic3A_1073 = arith.constant 5 : i32
    %shift_right_arithmetic3A_1074 = vector.broadcast %shift_right_arithmetic3A_1073 : i32 to vector<16xi32>
    %shift_right_arithmetic3A_1075 = arith.shrsi %min3A_1072, %shift_right_arithmetic3A_1074 : vector<16xi32>
    %min3A_1076 = arith.constant 8191 : i32
    %min3A_1077 = vector.broadcast %min3A_1076 : i32 to vector<16xi32>
    %min3A_1078 = arith.minsi %add3A_1063, %min3A_1077 : vector<16xi32>
    %shift_right_arithmetic3A_1079 = arith.constant 3 : i32
    %shift_right_arithmetic3A_1080 = vector.broadcast %shift_right_arithmetic3A_1079 : i32 to vector<16xi32>
    %shift_right_arithmetic3A_1081 = arith.shrsi %min3A_1078, %shift_right_arithmetic3A_1080 : vector<16xi32>
    %min3A_1082 = arith.constant 8191 : i32
    %min3A_1083 = vector.broadcast %min3A_1082 : i32 to vector<16xi32>
    %min3A_1084 = arith.minsi %add3A_1064, %min3A_1083 : vector<16xi32>
    %shift_right_arithmetic3A_1085 = arith.constant 3 : i32
    %shift_right_arithmetic3A_1086 = vector.broadcast %shift_right_arithmetic3A_1085 : i32 to vector<16xi32>
    %shift_right_arithmetic3A_1087 = arith.shrsi %min3A_1084, %shift_right_arithmetic3A_1086 : vector<16xi32>
    %swap3A_1088 = arith.constant 0 : index
    %swap3A_1089 = tpu.vector_load %arg8[%swap3A_1088] {strides = array<i32>} : memref<32xi32, #tpu.memory_space<vmem>>, vector<16xi32>,
    tpu.vector_store %arg8[%swap3A_1088], %add3A_1063 {strides = array<i32>} : memref<32xi32, #tpu.memory_space<vmem>>, vector<16xi32>,
    %swap3A_1090 = arith.constant 16 : index
    %swap3A_1091 = tpu.vector_load %arg8[%swap3A_1090] {strides = array<i32>} : memref<32xi32, #tpu.memory_space<vmem>>, vector<16xi32>,
    tpu.vector_store %arg8[%swap3A_1090], %add3A_1064 {strides = array<i32>} : memref<32xi32, #tpu.memory_space<vmem>>, vector<16xi32>,
    %add3A_1092 = arith.constant 0 : i32
    %add3A_1093 = arith.addi %add3A_1092, %select_n3A : i32
    %mul3A_1094 = arith.constant 8 : i32
    %mul3A_1095 = arith.muli %add3A_1093, %mul3A_1094 : i32
    %mul3A_1096 = arith.constant 2 : i32
    %mul3A_1097 = arith.muli %select_n3A_28, %mul3A_1096 : i32
    %add3A_1098 = arith.addi %mul3A_1095, %mul3A_1097 : i32
    %mul3A_1099 = arith.constant 16 : i32
    %mul3A_1100 = arith.muli %add3A_1098, %mul3A_1099 : i32
    "tpu.region"() ({
      %run_scoped3A = tpu.sem_alloc : memref<!tpu.dma_semaphore, #tpu.memory_space<semaphore_mem>>
      %dma_start3A = tpu.memref_slice %arg3[%mul3A_1100] : memref<2048xi32, #tpu.memory_space<hbm>> -> memref<32xi32, #tpu.memory_space<hbm>>
      %dma_start3A_1140 = tpu.memref_slice %arg3[%mul3A_1100] : memref<2048xi32, #tpu.memory_space<hbm>> -> memref<32xi32, #tpu.memory_space<hbm>>
      tpu.enqueue_dma source(%arg8 : memref<32xi32, #tpu.memory_space<vmem>>) target(%dma_start3A_1140 : memref<32xi32, #tpu.memory_space<hbm>>) target_semaphore(%run_scoped3A : memref<!tpu.dma_semaphore, #tpu.memory_space<semaphore_mem>>)
      %dma_wait3A = tpu.memref_slice %arg3[%mul3A_1100] : memref<2048xi32, #tpu.memory_space<hbm>> -> memref<32xi32, #tpu.memory_space<hbm>>
      %dma_wait3A_1141 = tpu.memref_slice %arg3[%mul3A_1100] : memref<2048xi32, #tpu.memory_space<hbm>> -> memref<32xi32, #tpu.memory_space<hbm>>
      tpu.wait_dma2 semaphore(%run_scoped3A : memref<!tpu.dma_semaphore, #tpu.memory_space<semaphore_mem>>) src(%arg8 : memref<32xi32, #tpu.memory_space<vmem>>) dst(%dma_wait3A_1141 : memref<32xi32, #tpu.memory_space<hbm>>)
      tpu.yield
    }) : () -> ()
    %swap3A_1101 = arith.constant 0 : index
    %swap3A_1102 = tpu.vector_load %arg8[%swap3A_1101] {strides = array<i32>} : memref<32xi32, #tpu.memory_space<vmem>>, vector<16xi32>,
    tpu.vector_store %arg8[%swap3A_1101], %add3A_507 {strides = array<i32>} : memref<32xi32, #tpu.memory_space<vmem>>, vector<16xi32>,
    %swap3A_1103 = arith.constant 16 : index
    %swap3A_1104 = tpu.vector_load %arg8[%swap3A_1103] {strides = array<i32>} : memref<32xi32, #tpu.memory_space<vmem>>, vector<16xi32>,
    tpu.vector_store %arg8[%swap3A_1103], %add3A_984 {strides = array<i32>} : memref<32xi32, #tpu.memory_space<vmem>>, vector<16xi32>,
    %add3A_1105 = arith.constant 4 : i32
    %add3A_1106 = arith.addi %add3A_1105, %select_n3A : i32
    %mul3A_1107 = arith.constant 8 : i32
    %mul3A_1108 = arith.muli %add3A_1106, %mul3A_1107 : i32
    %mul3A_1109 = arith.constant 2 : i32
    %mul3A_1110 = arith.muli %select_n3A_28, %mul3A_1109 : i32
    %add3A_1111 = arith.addi %mul3A_1108, %mul3A_1110 : i32
    %mul3A_1112 = arith.constant 16 : i32
    %mul3A_1113 = arith.muli %add3A_1111, %mul3A_1112 : i32
    "tpu.region"() ({
      %run_scoped3A = tpu.sem_alloc : memref<!tpu.dma_semaphore, #tpu.memory_space<semaphore_mem>>
      %dma_start3A = tpu.memref_slice %arg3[%mul3A_1113] : memref<2048xi32, #tpu.memory_space<hbm>> -> memref<32xi32, #tpu.memory_space<hbm>>
      %dma_start3A_1140 = tpu.memref_slice %arg3[%mul3A_1113] : memref<2048xi32, #tpu.memory_space<hbm>> -> memref<32xi32, #tpu.memory_space<hbm>>
      tpu.enqueue_dma source(%arg8 : memref<32xi32, #tpu.memory_space<vmem>>) target(%dma_start3A_1140 : memref<32xi32, #tpu.memory_space<hbm>>) target_semaphore(%run_scoped3A : memref<!tpu.dma_semaphore, #tpu.memory_space<semaphore_mem>>)
      %dma_wait3A = tpu.memref_slice %arg3[%mul3A_1113] : memref<2048xi32, #tpu.memory_space<hbm>> -> memref<32xi32, #tpu.memory_space<hbm>>
      %dma_wait3A_1141 = tpu.memref_slice %arg3[%mul3A_1113] : memref<2048xi32, #tpu.memory_space<hbm>> -> memref<32xi32, #tpu.memory_space<hbm>>
      tpu.wait_dma2 semaphore(%run_scoped3A : memref<!tpu.dma_semaphore, #tpu.memory_space<semaphore_mem>>) src(%arg8 : memref<32xi32, #tpu.memory_space<vmem>>) dst(%dma_wait3A_1141 : memref<32xi32, #tpu.memory_space<hbm>>)
      tpu.yield
    }) : () -> ()
    %swap3A_1114 = arith.constant 0 : index
    %swap3A_1115 = tpu.vector_load %arg8[%swap3A_1114] {strides = array<i32>} : memref<32xi32, #tpu.memory_space<vmem>>, vector<16xi32>,
    tpu.vector_store %arg8[%swap3A_1114], %shift_right_arithmetic3A_1069 {strides = array<i32>} : memref<32xi32, #tpu.memory_space<vmem>>, vector<16xi32>,
    %swap3A_1116 = arith.constant 16 : index
    %swap3A_1117 = tpu.vector_load %arg8[%swap3A_1116] {strides = array<i32>} : memref<32xi32, #tpu.memory_space<vmem>>, vector<16xi32>,
    tpu.vector_store %arg8[%swap3A_1116], %shift_right_arithmetic3A_1075 {strides = array<i32>} : memref<32xi32, #tpu.memory_space<vmem>>, vector<16xi32>,
    %add3A_1118 = arith.constant 8 : i32
    %add3A_1119 = arith.addi %add3A_1118, %select_n3A : i32
    %mul3A_1120 = arith.constant 8 : i32
    %mul3A_1121 = arith.muli %add3A_1119, %mul3A_1120 : i32
    %mul3A_1122 = arith.constant 2 : i32
    %mul3A_1123 = arith.muli %select_n3A_28, %mul3A_1122 : i32
    %add3A_1124 = arith.addi %mul3A_1121, %mul3A_1123 : i32
    %mul3A_1125 = arith.constant 16 : i32
    %mul3A_1126 = arith.muli %add3A_1124, %mul3A_1125 : i32
    "tpu.region"() ({
      %run_scoped3A = tpu.sem_alloc : memref<!tpu.dma_semaphore, #tpu.memory_space<semaphore_mem>>
      %dma_start3A = tpu.memref_slice %arg3[%mul3A_1126] : memref<2048xi32, #tpu.memory_space<hbm>> -> memref<32xi32, #tpu.memory_space<hbm>>
      %dma_start3A_1140 = tpu.memref_slice %arg3[%mul3A_1126] : memref<2048xi32, #tpu.memory_space<hbm>> -> memref<32xi32, #tpu.memory_space<hbm>>
      tpu.enqueue_dma source(%arg8 : memref<32xi32, #tpu.memory_space<vmem>>) target(%dma_start3A_1140 : memref<32xi32, #tpu.memory_space<hbm>>) target_semaphore(%run_scoped3A : memref<!tpu.dma_semaphore, #tpu.memory_space<semaphore_mem>>)
      %dma_wait3A = tpu.memref_slice %arg3[%mul3A_1126] : memref<2048xi32, #tpu.memory_space<hbm>> -> memref<32xi32, #tpu.memory_space<hbm>>
      %dma_wait3A_1141 = tpu.memref_slice %arg3[%mul3A_1126] : memref<2048xi32, #tpu.memory_space<hbm>> -> memref<32xi32, #tpu.memory_space<hbm>>
      tpu.wait_dma2 semaphore(%run_scoped3A : memref<!tpu.dma_semaphore, #tpu.memory_space<semaphore_mem>>) src(%arg8 : memref<32xi32, #tpu.memory_space<vmem>>) dst(%dma_wait3A_1141 : memref<32xi32, #tpu.memory_space<hbm>>)
      tpu.yield
    }) : () -> ()
    %swap3A_1127 = arith.constant 0 : index
    %swap3A_1128 = tpu.vector_load %arg8[%swap3A_1127] {strides = array<i32>} : memref<32xi32, #tpu.memory_space<vmem>>, vector<16xi32>,
    tpu.vector_store %arg8[%swap3A_1127], %shift_right_arithmetic3A_1081 {strides = array<i32>} : memref<32xi32, #tpu.memory_space<vmem>>, vector<16xi32>,
    %swap3A_1129 = arith.constant 16 : index
    %swap3A_1130 = tpu.vector_load %arg8[%swap3A_1129] {strides = array<i32>} : memref<32xi32, #tpu.memory_space<vmem>>, vector<16xi32>,
    tpu.vector_store %arg8[%swap3A_1129], %shift_right_arithmetic3A_1087 {strides = array<i32>} : memref<32xi32, #tpu.memory_space<vmem>>, vector<16xi32>,
    %add3A_1131 = arith.constant 12 : i32
    %add3A_1132 = arith.addi %add3A_1131, %select_n3A : i32
    %mul3A_1133 = arith.constant 8 : i32
    %mul3A_1134 = arith.muli %add3A_1132, %mul3A_1133 : i32
    %mul3A_1135 = arith.constant 2 : i32
    %mul3A_1136 = arith.muli %select_n3A_28, %mul3A_1135 : i32
    %add3A_1137 = arith.addi %mul3A_1134, %mul3A_1136 : i32
    %mul3A_1138 = arith.constant 16 : i32
    %mul3A_1139 = arith.muli %add3A_1137, %mul3A_1138 : i32
    "tpu.region"() ({
      %run_scoped3A = tpu.sem_alloc : memref<!tpu.dma_semaphore, #tpu.memory_space<semaphore_mem>>
      %dma_start3A = tpu.memref_slice %arg3[%mul3A_1139] : memref<2048xi32, #tpu.memory_space<hbm>> -> memref<32xi32, #tpu.memory_space<hbm>>
      %dma_start3A_1140 = tpu.memref_slice %arg3[%mul3A_1139] : memref<2048xi32, #tpu.memory_space<hbm>> -> memref<32xi32, #tpu.memory_space<hbm>>
      tpu.enqueue_dma source(%arg8 : memref<32xi32, #tpu.memory_space<vmem>>) target(%dma_start3A_1140 : memref<32xi32, #tpu.memory_space<hbm>>) target_semaphore(%run_scoped3A : memref<!tpu.dma_semaphore, #tpu.memory_space<semaphore_mem>>)
      %dma_wait3A = tpu.memref_slice %arg3[%mul3A_1139] : memref<2048xi32, #tpu.memory_space<hbm>> -> memref<32xi32, #tpu.memory_space<hbm>>
      %dma_wait3A_1141 = tpu.memref_slice %arg3[%mul3A_1139] : memref<2048xi32, #tpu.memory_space<hbm>> -> memref<32xi32, #tpu.memory_space<hbm>>
      tpu.wait_dma2 semaphore(%run_scoped3A : memref<!tpu.dma_semaphore, #tpu.memory_space<semaphore_mem>>) src(%arg8 : memref<32xi32, #tpu.memory_space<vmem>>) dst(%dma_wait3A_1141 : memref<32xi32, #tpu.memory_space<hbm>>)
      tpu.yield
    }) : () -> ()
    return
  }
}

module attributes {stable_mosaic.version = 14 : i64} {
  func.func @_main_kernel(%arg0: i32, %arg1: i32, %arg2: memref<4x4x8x16xi32, #tpu.memory_space<smem>>, %arg3: memref<1x1024x1024xf32, #tpu.memory_space<vmem>>, %arg4: memref<1x1x1x1024xi32, #tpu.memory_space<vmem>>, %arg5: memref<8x1024xf32, #tpu.memory_space<vmem>>, %arg6: memref<32x1024xf32, #tpu.memory_space<vmem>>, %arg7: memref<32x1024xf32, #tpu.memory_space<vmem>>, %arg8: memref<8192x1024xf32, #tpu.memory_space<any>>, %arg9: memref<1x1024x1024xf32, #tpu.memory_space<vmem>>, %arg10: memref<1040x1024xf32, #tpu.memory_space<vmem>>, %arg11: memref<!tpu.dma_semaphore, #tpu.memory_space<semaphore_mem>>) attributes {dimension_semantics = [#tpu.dimension_semantics<parallel>, #tpu.dimension_semantics<arbitrary>], iteration_bounds = array<i64: 4, 8>, scalar_prefetch = 1 : i64, scratch_operands = 2 : i64, tpu.core_type = #tpu.core_type<tc>, window_params = [{transform_indices = @transform_0, window_bounds = array<i64: 1, 1024, 1024>}, {transform_indices = @transform_1, window_bounds = array<i64: 1, 1, 1, 1024>}, {transform_indices = @transform_2, window_bounds = array<i64: 8, 1024>}, {transform_indices = @transform_3, window_bounds = array<i64: 32, 1024>}, {transform_indices = @transform_4, window_bounds = array<i64: 32, 1024>}, {}, {transform_indices = @transform_6, window_bounds = array<i64: 1, 1024, 1024>}]} {
    %get3A = arith.constant 0 : index
    %get3A_0 = arith.index_cast %arg0 : i32 to index
    %get3A_1 = arith.index_cast %arg1 : i32 to index
    %get3A_2 = arith.constant 0 : index
    %get3A_3 = memref.load %arg2[%get3A, %get3A_0, %get3A_1, %get3A_2] : memref<4x4x8x16xi32, #tpu.memory_space<smem>>
    %get3A_4 = arith.constant 1 : index
    %get3A_5 = arith.index_cast %arg0 : i32 to index
    %get3A_6 = arith.index_cast %arg1 : i32 to index
    %get3A_7 = arith.constant 0 : index
    %get3A_8 = memref.load %arg2[%get3A_4, %get3A_5, %get3A_6, %get3A_7] : memref<4x4x8x16xi32, #tpu.memory_space<smem>>
    %get3A_9 = arith.constant 2 : index
    %get3A_10 = arith.index_cast %arg0 : i32 to index
    %get3A_11 = arith.index_cast %arg1 : i32 to index
    %get3A_12 = arith.constant 0 : index
    %get3A_13 = memref.load %arg2[%get3A_9, %get3A_10, %get3A_11, %get3A_12] : memref<4x4x8x16xi32, #tpu.memory_space<smem>>
    %get3A_14 = arith.constant 3 : index
    %get3A_15 = arith.index_cast %arg0 : i32 to index
    %get3A_16 = arith.index_cast %arg1 : i32 to index
    %get3A_17 = arith.constant 0 : index
    %get3A_18 = memref.load %arg2[%get3A_14, %get3A_15, %get3A_16, %get3A_17] : memref<4x4x8x16xi32, #tpu.memory_space<smem>>
    %get3A_19 = arith.constant 0 : index
    %get3A_20 = arith.constant 0 : index
    %get3A_21 = arith.constant 0 : index
    %get3A_22 = vector.load %arg3[%get3A_19, %get3A_20, %get3A_21] : memref<1x1024x1024xf32, #tpu.memory_space<vmem>>, vector<1x1024x1024xf32>
    %get3A_23 = vector.shape_cast %get3A_22 : vector<1x1024x1024xf32> to vector<1024x1024xf32>
    %eq3A = arith.constant 0 : i32
    %eq3A_24 = arith.cmpi eq, %get3A_8, %eq3A : i32
    %convert_element_type3A = arith.extui %eq3A_24 : i1 to i32
    %cond3A = arith.constant 0 : i32
    %cond3A_25 = arith.cmpi ne, %convert_element_type3A, %cond3A : i32
    scf.if %cond3A_25 {
      %min3A = arith.constant 8191 : i32
      %min3A_36 = arith.minsi %get3A_3, %min3A : i32
      %mul3A = arith.constant 8 : i32
      %mul3A_37 = arith.muli %mul3A, %get3A_18 : i32
      %sub3A = arith.subi %min3A_36, %mul3A_37 : i32
      %iota3A = tpu.iota {dimensions = array<i32: 0>} : vector<8x1xi32>
      %eq3A_38 = vector.broadcast %sub3A : i32 to vector<8x1xi32>
      %eq3A_39 = arith.cmpi eq, %iota3A, %eq3A_38 : vector<8x1xi32>
      %convert_element_type3A_40 = arith.extui %eq3A_39 : vector<8x1xi1> to vector<8x1xi32>
      %convert_element_type3A_41 = arith.sitofp %convert_element_type3A_40 : vector<8x1xi32> to vector<8x1xf32>
      %get3A_42 = arith.constant 0 : index
      %get3A_43 = arith.constant 0 : index
      %get3A_44 = vector.load %arg5[%get3A_42, %get3A_43] : memref<8x1024xf32, #tpu.memory_space<vmem>>, vector<8x1024xf32>
      %mul3A_45 = vector.broadcast %convert_element_type3A_41 : vector<8x1xf32> to vector<8x1024xf32>
      %mul3A_46 = arith.mulf %get3A_44, %mul3A_45 : vector<8x1024xf32>
      %reduce_sum3A = arith.constant dense<0.000000e+00> : vector<1024xf32>
      %reduce_sum3A_47 = vector.multi_reduction <add>, %mul3A_46, %reduce_sum3A [0] : vector<8x1024xf32> to vector<1024xf32>
      %broadcast_in_dim3A = vector.shape_cast %reduce_sum3A_47 : vector<1024xf32> to vector<1x1024xf32>
      %add3A = vector.broadcast %broadcast_in_dim3A : vector<1x1024xf32> to vector<1024x1024xf32>
      %add3A_48 = arith.addf %get3A_23, %add3A : vector<1024x1024xf32>
      %swap3A = arith.constant 0 : index
      %swap3A_49 = arith.constant 0 : index
      %swap3A_50 = arith.constant 0 : index
      %swap3A_51 = vector.load %arg9[%swap3A, %swap3A_49, %swap3A_50] : memref<1x1024x1024xf32, #tpu.memory_space<vmem>>, vector<1x1024x1024xf32>
      %swap3A_52 = vector.shape_cast %swap3A_51 : vector<1x1024x1024xf32> to vector<1024x1024xf32>
      %swap3A_53 = vector.shape_cast %add3A_48 : vector<1024x1024xf32> to vector<1x1024x1024xf32>
      tpu.vector_store %arg9[%swap3A, %swap3A_49, %swap3A_50], %swap3A_53 {strides = array<i32>} : memref<1x1024x1024xf32, #tpu.memory_space<vmem>>, vector<1x1024x1024xf32>,
    } else {
    }
    %gt3A = arith.constant 0 : i32
    %gt3A_26 = arith.cmpi sgt, %get3A_8, %gt3A : i32
    %le3A = arith.constant 32 : i32
    %le3A_27 = arith.cmpi sle, %get3A_8, %le3A : i32
    %and3A = arith.andi %gt3A_26, %le3A_27 : i1
    %convert_element_type3A_28 = arith.extui %and3A : i1 to i32
    %cond3A_29 = arith.constant 0 : i32
    %cond3A_30 = arith.cmpi ne, %convert_element_type3A_28, %cond3A_29 : i32
    scf.if %cond3A_30 {
      %get3A_36 = arith.constant 0 : index
      %get3A_37 = arith.constant 0 : index
      %get3A_38 = arith.constant 0 : index
      %get3A_39 = arith.constant 0 : index
      %get3A_40 = vector.load %arg4[%get3A_36, %get3A_37, %get3A_38, %get3A_39] : memref<1x1x1x1024xi32, #tpu.memory_space<vmem>>, vector<1x1x1x1024xi32>
      %get3A_41 = vector.shape_cast %get3A_40 : vector<1x1x1x1024xi32> to vector<1x1024xi32>
      %eq3A_42 = arith.constant 102 : i32
      %eq3A_43 = vector.broadcast %eq3A_42 : i32 to vector<1x1024xi32>
      %eq3A_44 = arith.cmpi eq, %get3A_41, %eq3A_43 : vector<1x1024xi32>
      %convert_element_type3A_45 = arith.extui %eq3A_44 : vector<1x1024xi1> to vector<1x1024xi32>
      %broadcast_in_dim3A = arith.constant 0 : i32
      %broadcast_in_dim3A_46 = vector.broadcast %broadcast_in_dim3A : i32 to vector<1x1xi32>
      %slice3A = vector.extract_strided_slice %convert_element_type3A_45 {offsets = [0, 0], sizes = [1, 1023], strides = [1, 1]} : vector<1x1024xi32> to vector<1x1023xi32>
      %concatenate3A = tpu.concatenate %broadcast_in_dim3A_46, %slice3A in 1 : vector<1x1xi32>, vector<1x1023xi32> -> vector<1x1024xi32>
      %add3A = arith.addi %convert_element_type3A_45, %concatenate3A : vector<1x1024xi32>
      %broadcast_in_dim3A_47 = arith.constant 0 : i32
      %broadcast_in_dim3A_48 = vector.broadcast %broadcast_in_dim3A_47 : i32 to vector<1x2xi32>
      %slice3A_49 = vector.extract_strided_slice %add3A {offsets = [0, 0], sizes = [1, 1022], strides = [1, 1]} : vector<1x1024xi32> to vector<1x1022xi32>
      %concatenate3A_50 = tpu.concatenate %broadcast_in_dim3A_48, %slice3A_49 in 1 : vector<1x2xi32>, vector<1x1022xi32> -> vector<1x1024xi32>
      %add3A_51 = arith.addi %add3A, %concatenate3A_50 : vector<1x1024xi32>
      %broadcast_in_dim3A_52 = arith.constant 0 : i32
      %broadcast_in_dim3A_53 = vector.broadcast %broadcast_in_dim3A_52 : i32 to vector<1x4xi32>
      %slice3A_54 = vector.extract_strided_slice %add3A_51 {offsets = [0, 0], sizes = [1, 1020], strides = [1, 1]} : vector<1x1024xi32> to vector<1x1020xi32>
      %concatenate3A_55 = tpu.concatenate %broadcast_in_dim3A_53, %slice3A_54 in 1 : vector<1x4xi32>, vector<1x1020xi32> -> vector<1x1024xi32>
      %add3A_56 = arith.addi %add3A_51, %concatenate3A_55 : vector<1x1024xi32>
      %broadcast_in_dim3A_57 = arith.constant 0 : i32
      %broadcast_in_dim3A_58 = vector.broadcast %broadcast_in_dim3A_57 : i32 to vector<1x8xi32>
      %slice3A_59 = vector.extract_strided_slice %add3A_56 {offsets = [0, 0], sizes = [1, 1016], strides = [1, 1]} : vector<1x1024xi32> to vector<1x1016xi32>
      %concatenate3A_60 = tpu.concatenate %broadcast_in_dim3A_58, %slice3A_59 in 1 : vector<1x8xi32>, vector<1x1016xi32> -> vector<1x1024xi32>
      %add3A_61 = arith.addi %add3A_56, %concatenate3A_60 : vector<1x1024xi32>
      %broadcast_in_dim3A_62 = arith.constant 0 : i32
      %broadcast_in_dim3A_63 = vector.broadcast %broadcast_in_dim3A_62 : i32 to vector<1x16xi32>
      %slice3A_64 = vector.extract_strided_slice %add3A_61 {offsets = [0, 0], sizes = [1, 1008], strides = [1, 1]} : vector<1x1024xi32> to vector<1x1008xi32>
      %concatenate3A_65 = tpu.concatenate %broadcast_in_dim3A_63, %slice3A_64 in 1 : vector<1x16xi32>, vector<1x1008xi32> -> vector<1x1024xi32>
      %add3A_66 = arith.addi %add3A_61, %concatenate3A_65 : vector<1x1024xi32>
      %broadcast_in_dim3A_67 = arith.constant 0 : i32
      %broadcast_in_dim3A_68 = vector.broadcast %broadcast_in_dim3A_67 : i32 to vector<1x32xi32>
      %slice3A_69 = vector.extract_strided_slice %add3A_66 {offsets = [0, 0], sizes = [1, 992], strides = [1, 1]} : vector<1x1024xi32> to vector<1x992xi32>
      %concatenate3A_70 = tpu.concatenate %broadcast_in_dim3A_68, %slice3A_69 in 1 : vector<1x32xi32>, vector<1x992xi32> -> vector<1x1024xi32>
      %add3A_71 = arith.addi %add3A_66, %concatenate3A_70 : vector<1x1024xi32>
      %broadcast_in_dim3A_72 = arith.constant 0 : i32
      %broadcast_in_dim3A_73 = vector.broadcast %broadcast_in_dim3A_72 : i32 to vector<1x64xi32>
      %slice3A_74 = vector.extract_strided_slice %add3A_71 {offsets = [0, 0], sizes = [1, 960], strides = [1, 1]} : vector<1x1024xi32> to vector<1x960xi32>
      %concatenate3A_75 = tpu.concatenate %broadcast_in_dim3A_73, %slice3A_74 in 1 : vector<1x64xi32>, vector<1x960xi32> -> vector<1x1024xi32>
      %add3A_76 = arith.addi %add3A_71, %concatenate3A_75 : vector<1x1024xi32>
      %broadcast_in_dim3A_77 = arith.constant 0 : i32
      %broadcast_in_dim3A_78 = vector.broadcast %broadcast_in_dim3A_77 : i32 to vector<1x128xi32>
      %slice3A_79 = vector.extract_strided_slice %add3A_76 {offsets = [0, 0], sizes = [1, 896], strides = [1, 1]} : vector<1x1024xi32> to vector<1x896xi32>
      %concatenate3A_80 = tpu.concatenate %broadcast_in_dim3A_78, %slice3A_79 in 1 : vector<1x128xi32>, vector<1x896xi32> -> vector<1x1024xi32>
      %add3A_81 = arith.addi %add3A_76, %concatenate3A_80 : vector<1x1024xi32>
      %broadcast_in_dim3A_82 = arith.constant 0 : i32
      %broadcast_in_dim3A_83 = vector.broadcast %broadcast_in_dim3A_82 : i32 to vector<1x256xi32>
      %slice3A_84 = vector.extract_strided_slice %add3A_81 {offsets = [0, 0], sizes = [1, 768], strides = [1, 1]} : vector<1x1024xi32> to vector<1x768xi32>
      %concatenate3A_85 = tpu.concatenate %broadcast_in_dim3A_83, %slice3A_84 in 1 : vector<1x256xi32>, vector<1x768xi32> -> vector<1x1024xi32>
      %add3A_86 = arith.addi %add3A_81, %concatenate3A_85 : vector<1x1024xi32>
      %broadcast_in_dim3A_87 = arith.constant 0 : i32
      %broadcast_in_dim3A_88 = vector.broadcast %broadcast_in_dim3A_87 : i32 to vector<1x512xi32>
      %slice3A_89 = vector.extract_strided_slice %add3A_86 {offsets = [0, 0], sizes = [1, 512], strides = [1, 1]} : vector<1x1024xi32> to vector<1x512xi32>
      %concatenate3A_90 = tpu.concatenate %broadcast_in_dim3A_88, %slice3A_89 in 1 : vector<1x512xi32>, vector<1x512xi32> -> vector<1x1024xi32>
      %add3A_91 = arith.addi %add3A_86, %concatenate3A_90 : vector<1x1024xi32>
      %add3A_92 = vector.broadcast %get3A_3 : i32 to vector<1x1024xi32>
      %add3A_93 = arith.addi %add3A_92, %add3A_91 : vector<1x1024xi32>
      %min3A = arith.constant 8191 : i32
      %min3A_94 = vector.broadcast %min3A : i32 to vector<1x1024xi32>
      %min3A_95 = arith.minsi %add3A_93, %min3A_94 : vector<1x1024xi32>
      %mul3A = arith.constant 32 : i32
      %mul3A_96 = arith.muli %mul3A, %get3A_13 : i32
      %sub3A = vector.broadcast %mul3A_96 : i32 to vector<1x1024xi32>
      %sub3A_97 = arith.subi %min3A_95, %sub3A : vector<1x1024xi32>
      %get3A_98 = arith.constant 0 : index
      %get3A_99 = arith.constant 0 : index
      %get3A_100 = vector.load %arg6[%get3A_98, %get3A_99] : memref<32x1024xf32, #tpu.memory_space<vmem>>, vector<32x1024xf32>
      %iota3A = tpu.iota {dimensions = array<i32: 0>} : vector<32x1024xi32>
      %broadcast_in_dim3A_101 = vector.shape_cast %sub3A_97 : vector<1x1024xi32> to vector<1x1024xi32>
      %broadcast_in_dim3A_102 = vector.broadcast %broadcast_in_dim3A_101 : vector<1x1024xi32> to vector<32x1024xi32>
      %eq3A_103 = arith.cmpi eq, %iota3A, %broadcast_in_dim3A_102 : vector<32x1024xi32>
      %convert_element_type3A_104 = arith.extui %eq3A_103 : vector<32x1024xi1> to vector<32x1024xi32>
      %convert_element_type3A_105 = arith.sitofp %convert_element_type3A_104 : vector<32x1024xi32> to vector<32x1024xf32>
      %dot_general3A = arith.constant dense<0.000000e+00> : vector<1024x1024xf32>
      %dot_general3A_106 = tpu.matmul %convert_element_type3A_105, %get3A_100, %dot_general3A {dimension_numbers = #tpu.dot_dimension_numbers<[0], [0], [1], [1], [0, 1, 1, 1], [], []>, transpose_lhs_hint = false} : vector<32x1024xf32>, vector<32x1024xf32>, vector<1024x1024xf32> -> vector<1024x1024xf32>
      %get3A_107 = arith.constant 0 : index
      %get3A_108 = arith.constant 0 : index
      %get3A_109 = vector.load %arg7[%get3A_107, %get3A_108] : memref<32x1024xf32, #tpu.memory_space<vmem>>, vector<32x1024xf32>
      %sub3A_110 = arith.constant 32 : i32
      %sub3A_111 = vector.broadcast %sub3A_110 : i32 to vector<1x1024xi32>
      %sub3A_112 = arith.subi %sub3A_97, %sub3A_111 : vector<1x1024xi32>
      %iota3A_113 = tpu.iota {dimensions = array<i32: 0>} : vector<32x1024xi32>
      %broadcast_in_dim3A_114 = vector.shape_cast %sub3A_112 : vector<1x1024xi32> to vector<1x1024xi32>
      %broadcast_in_dim3A_115 = vector.broadcast %broadcast_in_dim3A_114 : vector<1x1024xi32> to vector<32x1024xi32>
      %eq3A_116 = arith.cmpi eq, %iota3A_113, %broadcast_in_dim3A_115 : vector<32x1024xi32>
      %convert_element_type3A_117 = arith.extui %eq3A_116 : vector<32x1024xi1> to vector<32x1024xi32>
      %convert_element_type3A_118 = arith.sitofp %convert_element_type3A_117 : vector<32x1024xi32> to vector<32x1024xf32>
      %dot_general3A_119 = arith.constant dense<0.000000e+00> : vector<1024x1024xf32>
      %dot_general3A_120 = tpu.matmul %convert_element_type3A_118, %get3A_109, %dot_general3A_119 {dimension_numbers = #tpu.dot_dimension_numbers<[0], [0], [1], [1], [0, 1, 1, 1], [], []>, transpose_lhs_hint = false} : vector<32x1024xf32>, vector<32x1024xf32>, vector<1024x1024xf32> -> vector<1024x1024xf32>
      %add3A_121 = arith.addf %dot_general3A_106, %dot_general3A_120 : vector<1024x1024xf32>
      %add3A_122 = arith.addf %get3A_23, %add3A_121 : vector<1024x1024xf32>
      %swap3A = arith.constant 0 : index
      %swap3A_123 = arith.constant 0 : index
      %swap3A_124 = arith.constant 0 : index
      %swap3A_125 = vector.load %arg9[%swap3A, %swap3A_123, %swap3A_124] : memref<1x1024x1024xf32, #tpu.memory_space<vmem>>, vector<1x1024x1024xf32>
      %swap3A_126 = vector.shape_cast %swap3A_125 : vector<1x1024x1024xf32> to vector<1024x1024xf32>
      %swap3A_127 = vector.shape_cast %add3A_122 : vector<1024x1024xf32> to vector<1x1024x1024xf32>
      tpu.vector_store %arg9[%swap3A, %swap3A_123, %swap3A_124], %swap3A_127 {strides = array<i32>} : memref<1x1024x1024xf32, #tpu.memory_space<vmem>>, vector<1x1024x1024xf32>,
    } else {
    }
    %gt3A_31 = arith.constant 32 : i32
    %gt3A_32 = arith.cmpi sgt, %get3A_8, %gt3A_31 : i32
    %convert_element_type3A_33 = arith.extui %gt3A_32 : i1 to i32
    %cond3A_34 = arith.constant 0 : i32
    %cond3A_35 = arith.cmpi ne, %convert_element_type3A_33, %cond3A_34 : i32
    scf.if %cond3A_35 {
      %min3A = arith.constant 7152 : i32
      %min3A_36 = arith.minsi %get3A_3, %min3A : i32
      %jit3A = arith.constant 8 : i32
      %div3A = arith.divsi %min3A_36, %jit3A : i32
      %sign3A = arith.constant 0 : i32
      %sign3A_37 = arith.cmpi sgt, %min3A_36, %sign3A : i32
      %sign3A_38 = arith.extui %sign3A_37 : i1 to i32
      %sign3A_39 = arith.constant 0 : i32
      %sign3A_40 = arith.cmpi slt, %min3A_36, %sign3A_39 : i32
      %sign3A_41 = arith.extui %sign3A_40 : i1 to i32
      %sign3A_42 = arith.subi %sign3A_38, %sign3A_41 : i32
      %sign3A_43 = arith.constant 0 : i32
      %sign3A_44 = arith.cmpi sgt, %jit3A, %sign3A_43 : i32
      %sign3A_45 = arith.extui %sign3A_44 : i1 to i32
      %sign3A_46 = arith.constant 0 : i32
      %sign3A_47 = arith.cmpi slt, %jit3A, %sign3A_46 : i32
      %sign3A_48 = arith.extui %sign3A_47 : i1 to i32
      %sign3A_49 = arith.subi %sign3A_45, %sign3A_48 : i32
      %ne3A = arith.cmpi ne, %sign3A_42, %sign3A_49 : i32
      %rem3A = arith.remsi %min3A_36, %jit3A : i32
      %ne3A_50 = arith.constant 0 : i32
      %ne3A_51 = arith.cmpi ne, %rem3A, %ne3A_50 : i32
      %and3A_52 = arith.andi %ne3A, %ne3A_51 : i1
      %sub3A = arith.constant 1 : i32
      %sub3A_53 = arith.subi %div3A, %sub3A : i32
      %select_n3A = arith.select %and3A_52, %sub3A_53, %div3A : i32
      %mul3A = arith.constant 8 : i32
      %mul3A_54 = arith.muli %select_n3A, %mul3A : i32
      %dma_start3A = arith.constant 0 : i32
      %dma_start3A_55 = tpu.memref_slice %arg8[%mul3A_54, %dma_start3A] : memref<8192x1024xf32, #tpu.memory_space<any>> -> memref<1040x1024xf32, #tpu.memory_space<any>>
      tpu.enqueue_dma source(%dma_start3A_55 : memref<1040x1024xf32, #tpu.memory_space<any>>) target(%arg10 : memref<1040x1024xf32, #tpu.memory_space<vmem>>) target_semaphore(%arg11 : memref<!tpu.dma_semaphore, #tpu.memory_space<semaphore_mem>>)
      %dma_wait3A = arith.constant 0 : i32
      %dma_wait3A_56 = tpu.memref_slice %arg8[%mul3A_54, %dma_wait3A] : memref<8192x1024xf32, #tpu.memory_space<any>> -> memref<1040x1024xf32, #tpu.memory_space<any>>
      tpu.wait_dma2 semaphore(%arg11 : memref<!tpu.dma_semaphore, #tpu.memory_space<semaphore_mem>>) src(%dma_wait3A_56 : memref<1040x1024xf32, #tpu.memory_space<any>>) dst(%arg10 : memref<1040x1024xf32, #tpu.memory_space<vmem>>)
      %get3A_57 = arith.constant 0 : index
      %get3A_58 = arith.constant 0 : index
      %get3A_59 = arith.constant 0 : index
      %get3A_60 = arith.constant 0 : index
      %get3A_61 = vector.load %arg4[%get3A_57, %get3A_58, %get3A_59, %get3A_60] : memref<1x1x1x1024xi32, #tpu.memory_space<vmem>>, vector<1x1x1x1024xi32>
      %get3A_62 = vector.shape_cast %get3A_61 : vector<1x1x1x1024xi32> to vector<1x1024xi32>
      %eq3A_63 = arith.constant 102 : i32
      %eq3A_64 = vector.broadcast %eq3A_63 : i32 to vector<1x1024xi32>
      %eq3A_65 = arith.cmpi eq, %get3A_62, %eq3A_64 : vector<1x1024xi32>
      %convert_element_type3A_66 = arith.extui %eq3A_65 : vector<1x1024xi1> to vector<1x1024xi32>
      %broadcast_in_dim3A = arith.constant 0 : i32
      %broadcast_in_dim3A_67 = vector.broadcast %broadcast_in_dim3A : i32 to vector<1x1xi32>
      %slice3A = vector.extract_strided_slice %convert_element_type3A_66 {offsets = [0, 0], sizes = [1, 1023], strides = [1, 1]} : vector<1x1024xi32> to vector<1x1023xi32>
      %concatenate3A = tpu.concatenate %broadcast_in_dim3A_67, %slice3A in 1 : vector<1x1xi32>, vector<1x1023xi32> -> vector<1x1024xi32>
      %add3A = arith.addi %convert_element_type3A_66, %concatenate3A : vector<1x1024xi32>
      %broadcast_in_dim3A_68 = arith.constant 0 : i32
      %broadcast_in_dim3A_69 = vector.broadcast %broadcast_in_dim3A_68 : i32 to vector<1x2xi32>
      %slice3A_70 = vector.extract_strided_slice %add3A {offsets = [0, 0], sizes = [1, 1022], strides = [1, 1]} : vector<1x1024xi32> to vector<1x1022xi32>
      %concatenate3A_71 = tpu.concatenate %broadcast_in_dim3A_69, %slice3A_70 in 1 : vector<1x2xi32>, vector<1x1022xi32> -> vector<1x1024xi32>
      %add3A_72 = arith.addi %add3A, %concatenate3A_71 : vector<1x1024xi32>
      %broadcast_in_dim3A_73 = arith.constant 0 : i32
      %broadcast_in_dim3A_74 = vector.broadcast %broadcast_in_dim3A_73 : i32 to vector<1x4xi32>
      %slice3A_75 = vector.extract_strided_slice %add3A_72 {offsets = [0, 0], sizes = [1, 1020], strides = [1, 1]} : vector<1x1024xi32> to vector<1x1020xi32>
      %concatenate3A_76 = tpu.concatenate %broadcast_in_dim3A_74, %slice3A_75 in 1 : vector<1x4xi32>, vector<1x1020xi32> -> vector<1x1024xi32>
      %add3A_77 = arith.addi %add3A_72, %concatenate3A_76 : vector<1x1024xi32>
      %broadcast_in_dim3A_78 = arith.constant 0 : i32
      %broadcast_in_dim3A_79 = vector.broadcast %broadcast_in_dim3A_78 : i32 to vector<1x8xi32>
      %slice3A_80 = vector.extract_strided_slice %add3A_77 {offsets = [0, 0], sizes = [1, 1016], strides = [1, 1]} : vector<1x1024xi32> to vector<1x1016xi32>
      %concatenate3A_81 = tpu.concatenate %broadcast_in_dim3A_79, %slice3A_80 in 1 : vector<1x8xi32>, vector<1x1016xi32> -> vector<1x1024xi32>
      %add3A_82 = arith.addi %add3A_77, %concatenate3A_81 : vector<1x1024xi32>
      %broadcast_in_dim3A_83 = arith.constant 0 : i32
      %broadcast_in_dim3A_84 = vector.broadcast %broadcast_in_dim3A_83 : i32 to vector<1x16xi32>
      %slice3A_85 = vector.extract_strided_slice %add3A_82 {offsets = [0, 0], sizes = [1, 1008], strides = [1, 1]} : vector<1x1024xi32> to vector<1x1008xi32>
      %concatenate3A_86 = tpu.concatenate %broadcast_in_dim3A_84, %slice3A_85 in 1 : vector<1x16xi32>, vector<1x1008xi32> -> vector<1x1024xi32>
      %add3A_87 = arith.addi %add3A_82, %concatenate3A_86 : vector<1x1024xi32>
      %broadcast_in_dim3A_88 = arith.constant 0 : i32
      %broadcast_in_dim3A_89 = vector.broadcast %broadcast_in_dim3A_88 : i32 to vector<1x32xi32>
      %slice3A_90 = vector.extract_strided_slice %add3A_87 {offsets = [0, 0], sizes = [1, 992], strides = [1, 1]} : vector<1x1024xi32> to vector<1x992xi32>
      %concatenate3A_91 = tpu.concatenate %broadcast_in_dim3A_89, %slice3A_90 in 1 : vector<1x32xi32>, vector<1x992xi32> -> vector<1x1024xi32>
      %add3A_92 = arith.addi %add3A_87, %concatenate3A_91 : vector<1x1024xi32>
      %broadcast_in_dim3A_93 = arith.constant 0 : i32
      %broadcast_in_dim3A_94 = vector.broadcast %broadcast_in_dim3A_93 : i32 to vector<1x64xi32>
      %slice3A_95 = vector.extract_strided_slice %add3A_92 {offsets = [0, 0], sizes = [1, 960], strides = [1, 1]} : vector<1x1024xi32> to vector<1x960xi32>
      %concatenate3A_96 = tpu.concatenate %broadcast_in_dim3A_94, %slice3A_95 in 1 : vector<1x64xi32>, vector<1x960xi32> -> vector<1x1024xi32>
      %add3A_97 = arith.addi %add3A_92, %concatenate3A_96 : vector<1x1024xi32>
      %broadcast_in_dim3A_98 = arith.constant 0 : i32
      %broadcast_in_dim3A_99 = vector.broadcast %broadcast_in_dim3A_98 : i32 to vector<1x128xi32>
      %slice3A_100 = vector.extract_strided_slice %add3A_97 {offsets = [0, 0], sizes = [1, 896], strides = [1, 1]} : vector<1x1024xi32> to vector<1x896xi32>
      %concatenate3A_101 = tpu.concatenate %broadcast_in_dim3A_99, %slice3A_100 in 1 : vector<1x128xi32>, vector<1x896xi32> -> vector<1x1024xi32>
      %add3A_102 = arith.addi %add3A_97, %concatenate3A_101 : vector<1x1024xi32>
      %broadcast_in_dim3A_103 = arith.constant 0 : i32
      %broadcast_in_dim3A_104 = vector.broadcast %broadcast_in_dim3A_103 : i32 to vector<1x256xi32>
      %slice3A_105 = vector.extract_strided_slice %add3A_102 {offsets = [0, 0], sizes = [1, 768], strides = [1, 1]} : vector<1x1024xi32> to vector<1x768xi32>
      %concatenate3A_106 = tpu.concatenate %broadcast_in_dim3A_104, %slice3A_105 in 1 : vector<1x256xi32>, vector<1x768xi32> -> vector<1x1024xi32>
      %add3A_107 = arith.addi %add3A_102, %concatenate3A_106 : vector<1x1024xi32>
      %broadcast_in_dim3A_108 = arith.constant 0 : i32
      %broadcast_in_dim3A_109 = vector.broadcast %broadcast_in_dim3A_108 : i32 to vector<1x512xi32>
      %slice3A_110 = vector.extract_strided_slice %add3A_107 {offsets = [0, 0], sizes = [1, 512], strides = [1, 1]} : vector<1x1024xi32> to vector<1x512xi32>
      %concatenate3A_111 = tpu.concatenate %broadcast_in_dim3A_109, %slice3A_110 in 1 : vector<1x512xi32>, vector<1x512xi32> -> vector<1x1024xi32>
      %add3A_112 = arith.addi %add3A_107, %concatenate3A_111 : vector<1x1024xi32>
      %add3A_113 = vector.broadcast %get3A_3 : i32 to vector<1x1024xi32>
      %add3A_114 = arith.addi %add3A_113, %add3A_112 : vector<1x1024xi32>
      %min3A_115 = arith.constant 8191 : i32
      %min3A_116 = vector.broadcast %min3A_115 : i32 to vector<1x1024xi32>
      %min3A_117 = arith.minsi %add3A_114, %min3A_116 : vector<1x1024xi32>
      %sub3A_118 = vector.broadcast %mul3A_54 : i32 to vector<1x1024xi32>
      %sub3A_119 = arith.subi %min3A_117, %sub3A_118 : vector<1x1024xi32>
      %get3A_120 = arith.constant 0 : index
      %get3A_121 = arith.constant 0 : index
      %get3A_122 = vector.load %arg10[%get3A_120, %get3A_121] : memref<1040x1024xf32, #tpu.memory_space<vmem>>, vector<1040x1024xf32>
      %iota3A = tpu.iota {dimensions = array<i32: 0>} : vector<1040x1024xi32>
      %broadcast_in_dim3A_123 = vector.shape_cast %sub3A_119 : vector<1x1024xi32> to vector<1x1024xi32>
      %broadcast_in_dim3A_124 = vector.broadcast %broadcast_in_dim3A_123 : vector<1x1024xi32> to vector<1040x1024xi32>
      %eq3A_125 = arith.cmpi eq, %iota3A, %broadcast_in_dim3A_124 : vector<1040x1024xi32>
      %convert_element_type3A_126 = arith.extui %eq3A_125 : vector<1040x1024xi1> to vector<1040x1024xi32>
      %convert_element_type3A_127 = arith.sitofp %convert_element_type3A_126 : vector<1040x1024xi32> to vector<1040x1024xf32>
      %dot_general3A = arith.constant dense<0.000000e+00> : vector<1024x1024xf32>
      %dot_general3A_128 = tpu.matmul %convert_element_type3A_127, %get3A_122, %dot_general3A {dimension_numbers = #tpu.dot_dimension_numbers<[0], [0], [1], [1], [0, 1, 1, 1], [], []>, transpose_lhs_hint = false} : vector<1040x1024xf32>, vector<1040x1024xf32>, vector<1024x1024xf32> -> vector<1024x1024xf32>
      %add3A_129 = arith.addf %get3A_23, %dot_general3A_128 : vector<1024x1024xf32>
      %swap3A = arith.constant 0 : index
      %swap3A_130 = arith.constant 0 : index
      %swap3A_131 = arith.constant 0 : index
      %swap3A_132 = vector.load %arg9[%swap3A, %swap3A_130, %swap3A_131] : memref<1x1024x1024xf32, #tpu.memory_space<vmem>>, vector<1x1024x1024xf32>
      %swap3A_133 = vector.shape_cast %swap3A_132 : vector<1x1024x1024xf32> to vector<1024x1024xf32>
      %swap3A_134 = vector.shape_cast %add3A_129 : vector<1024x1024xf32> to vector<1x1024x1024xf32>
      tpu.vector_store %arg9[%swap3A, %swap3A_130, %swap3A_131], %swap3A_134 {strides = array<i32>} : memref<1x1024x1024xf32, #tpu.memory_space<vmem>>, vector<1x1024x1024xf32>,
    } else {
    }
    return
  }
  func.func @transform_0(%arg0: i32, %arg1: i32, %arg2: memref<4x4x8x16xi32, #tpu.memory_space<smem>>) -> (i32, i32, i32) {
    %c0_i32 = arith.constant 0 : i32
    %c0_i32_0 = arith.constant 0 : i32
    return %arg0, %arg1, %c0_i32 : i32, i32, i32
  }
  func.func @transform_1(%arg0: i32, %arg1: i32, %arg2: memref<4x4x8x16xi32, #tpu.memory_space<smem>>) -> (i32, i32, i32, i32) {
    %c0_i32 = arith.constant 0 : i32
    %c0_i32_0 = arith.constant 0 : i32
    %c0_i32_1 = arith.constant 0 : i32
    return %arg0, %arg1, %c0_i32, %c0_i32_0 : i32, i32, i32, i32
  }
  func.func @transform_2(%arg0: i32, %arg1: i32, %arg2: memref<4x4x8x16xi32, #tpu.memory_space<smem>>) -> (i32, i32) {
    %get3A = arith.constant 3 : index
    %get3A_0 = arith.index_cast %arg0 : i32 to index
    %get3A_1 = arith.index_cast %arg1 : i32 to index
    %get3A_2 = arith.constant 0 : index
    %get3A_3 = memref.load %arg2[%get3A, %get3A_0, %get3A_1, %get3A_2] : memref<4x4x8x16xi32, #tpu.memory_space<smem>>
    %c0_i32 = arith.constant 0 : i32
    %c0_i32_4 = arith.constant 0 : i32
    return %get3A_3, %c0_i32 : i32, i32
  }
  func.func @transform_3(%arg0: i32, %arg1: i32, %arg2: memref<4x4x8x16xi32, #tpu.memory_space<smem>>) -> (i32, i32) {
    %get3A = arith.constant 2 : index
    %get3A_0 = arith.index_cast %arg0 : i32 to index
    %get3A_1 = arith.index_cast %arg1 : i32 to index
    %get3A_2 = arith.constant 0 : index
    %get3A_3 = memref.load %arg2[%get3A, %get3A_0, %get3A_1, %get3A_2] : memref<4x4x8x16xi32, #tpu.memory_space<smem>>
    %c0_i32 = arith.constant 0 : i32
    %c0_i32_4 = arith.constant 0 : i32
    return %get3A_3, %c0_i32 : i32, i32
  }
  func.func @transform_4(%arg0: i32, %arg1: i32, %arg2: memref<4x4x8x16xi32, #tpu.memory_space<smem>>) -> (i32, i32) {
    %get3A = arith.constant 2 : index
    %get3A_0 = arith.index_cast %arg0 : i32 to index
    %get3A_1 = arith.index_cast %arg1 : i32 to index
    %get3A_2 = arith.constant 0 : index
    %get3A_3 = memref.load %arg2[%get3A, %get3A_0, %get3A_1, %get3A_2] : memref<4x4x8x16xi32, #tpu.memory_space<smem>>
    %add3A = arith.constant 1 : i32
    %add3A_4 = arith.addi %get3A_3, %add3A : i32
    %c0_i32 = arith.constant 0 : i32
    %c0_i32_5 = arith.constant 0 : i32
    return %add3A_4, %c0_i32 : i32, i32
  }
  func.func @transform_6(%arg0: i32, %arg1: i32, %arg2: memref<4x4x8x16xi32, #tpu.memory_space<smem>>) -> (i32, i32, i32) {
    %c0_i32 = arith.constant 0 : i32
    %c0_i32_0 = arith.constant 0 : i32
    return %arg0, %arg1, %c0_i32 : i32, i32, i32
  }
}

</mosaic_0001>

<sc_bundles>
// kernel: kernel.4.cloned.1.call-start
scs
__scs_entry_jumppad:
0x0: {  	(pc) =	sbr.rel $0x88, $3  }
0x1: {  	(tag) =	ssettag $0x0;
	lr =	simm.s32 $0x1  }
0x2: {  	[smem:$0x3F9E] =	sst lr;
	_ =	strace $0xD0000000  }
0x3: {  	_ = 	snop  }
0x4: {  	_ = 	snop  }
0x5: {  	_ = 	snop  }
0x6: {  	_ = 	snop  }
0x7: {  	_ = 	snop  }
__scs_overlays_trampoline_lowered:
0x8: {  	[smem:$0x3FAD] =	sst s0  }
0x9: {  	[smem:$0x3FAE] =	sst s1  }
0xa: {  	[smem:$0x3FAF] =	sst s2  }
0xb: {  	[smem:$0x3FB0] =	sst s3  }
0xc: {  	[smem:$0x3FB1] =	sst s4  }
0xd: {  	[smem:$0x3FB2] =	sst s5  }
0xe: {  	[smem:$0x3FB3] =	sst s6  }
0xf: {  	[smem:$0x3FB4] =	sst s7  }
0x10: {  	[smem:$0x3FB5] =	sst s8  }
0x11: {  	[smem:$0x3FB6] =	sst s9;
	s0 =	simm.s32 @!p0 $0x0  }
0x12: {  	s1 =	sld [smem:$0x3F9C];
	s0 =	simm.s32 @p0 $0x1  }
0x13: {  	[smem:$0x3FB7] =	sst s0;
	s0 =	simm.s32 @!p1 $0x0  }
0x14: {  	s2 =	sld [smem:$0x3F9B];
	s0 =	simm.s32 @p1 $0x1  }
0x15: {  	[smem:$0x3FB8] =	sst s0;
	s0 =	simm.s32 @!p2 $0x0  }
0x16: {  	s3 =	sld [smem:$0x3FDB];
	s0 =	simm.s32 @p2 $0x1  }
0x17: {  	s4 =	simm.s32 $0x1BF5;
	[smem:$0x3FBA] =	sst s0  }
0x18: {  	s0 =	sld [smem:$0x3F9D];
	_ =	swait.ge [sflag:s4], $0x0  }
0x19: {  	s7 =	sld [smem:$0x3F9E]  }
0x1a: {  	s8 =	sadd.s32 $0xFFFFE003, lr  }
0x1b: {  	s9 =	sadd.s32 $0xFFFFFEF7, lr;
	s5 =	simm.s32 $0xFFFFFFFF;
	p2 =	slt.u32 s8, $0xFFFFF086  }
0x1c: {  	p1 =	slt.u32 s9, $0xF7A;
	s5 =	simm.s32 @!p2 $0x0  }
0x1d: {  	s5 =	simm.s32 @p1 $0x1;
	p0 =	seq.s32 s7, s2  }
0x1e: {  	s7 =	smul.u32 @!p0 $0xF7A, s2;
	p2 =	seq.s32 @!p0 s5, $0x0  }
0x1f: {  	s9 =	smul.u32 $0xF7A, s1;
	s8 =	simm.s32 @!p0 $0x1BF5;
	p2 =	por !p2, p0  }
0x20: {  	[sflag:s8] =	ssyncset.s32 @!p0 $0xFFFFF086;
	s6 =	sadd.s32 @!p0 s3, s7;
	s7 =	simm.s32 @!p0 $0x108  }
0x21: {  	s3 =	sadd.s32 s3, s9;
	s6 =	sadd.s32 @!p0 $0x88, s6;
	s7 =	simm.s32 @p2 $0x1082  }
0x22: {  	[simem:s7], [sflag:s8] =	dma.local @!p0 [hbm:s6], $0xF7A  }
0x23: {  	s9 =	sor.u32 $0xD0000000, s2;
	s6 =	simm.s32 $0x108;
	_ =	swait.ge @!p0 [sflag:s8], $0x0  }
0x24: {  	s3 =	sadd.s32 $0x88, s3;
	s6 =	simm.s32 @!p1 $0x1082;
	[sflag:s4] =	ssyncset.s32 $0xFFFFF086  }
0x25: {  	[simem:s6], [sflag:s4] =	dma.local [hbm:s3], $0xF7A  }
0x26: {  	[smem:$0x3F9E] =	sst s1;
	(tag) =	ssettag s2;
	_ =	strace s9  }
0x27: {  	s1 =	sld [smem:$0x3FAE]  }
0x28: {  	s2 =	sld [smem:$0x3FAF]  }
0x29: {  	s4 =	sld [smem:$0x3FB1]  }
0x2a: {  	p0 =	seq.s32 s5, $0x0;
	s5 =	sld [smem:$0x3FB2]  }
0x2b: {  	s6 =	sld [smem:$0x3FB3]  }
0x2c: {  	s7 =	sld [smem:$0x3FB4]  }
0x2d: {  	s3 =	simm.s32 $0x108;
	s8 =	sld [smem:$0x3FB5]  }
0x2e: {  	s3 =	simm.s32 @!p0 $0x1082;
	s9 =	sld [smem:$0x3FB6]  }
0x2f: {  	lr =	sadd.s32 s0, s3;
	s0 =	sld [smem:$0x3FAD]  }
0x30: {  	s3 =	sld [smem:$0x3FB0]  }
0x31: {  	[smem:$0x3FB9] =	sst s10  }
0x32: {  	s10 =	sld [smem:$0x3FB7];
	_ =	sdelay $0x3  }
0x33: {  	p0 =	seq.s32 s10, $0x1;
	s10 =	sld [smem:$0x3FB9];
	_ =	sdelay $0x3  }
0x34: {  	[smem:$0x3FB9] =	sst s10  }
0x35: {  	s10 =	sld [smem:$0x3FB8];
	_ =	sdelay $0x3  }
0x36: {  	p1 =	seq.s32 s10, $0x1;
	s10 =	sld [smem:$0x3FB9];
	_ =	sdelay $0x3  }
0x37: {  	[smem:$0x3FB9] =	sst s10  }
0x38: {  	s10 =	sld [smem:$0x3FBA]  }
0x39: {  	_ = 	snop;
	(pc) =	sbr.ind lr, $3  }
0x3a: {  	_ = 	snop  }
0x3b: {  	_ = 	snop  }
0x3c: {  	p2 =	seq.s32 s10, $0x1;
	s10 =	sld [smem:$0x3FB9]  }
0x3d: {  	_ =	shalt  }
0x3e: {  	_ =	shalt  }
0x3f: {  	_ =	shalt  }
0x40: {  	_ =	shalt  }
0x41: {  	_ =	shalt  }
0x42: {  	_ =	shalt  }
0x43: {  	_ =	shalt  }
0x44: {  	_ =	shalt  }
0x45: {  	_ =	shalt  }
0x46: {  	_ =	shalt  }
0x47: {  	_ =	shalt  }
0x48: {  	_ =	shalt  }
0x49: {  	_ =	shalt  }
0x4a: {  	_ =	shalt  }
0x4b: {  	_ =	shalt  }
0x4c: {  	_ =	shalt  }
0x4d: {  	_ =	shalt  }
0x4e: {  	_ =	shalt  }
0x4f: {  	_ =	shalt  }
0x50: {  	_ =	shalt  }
0x51: {  	_ =	shalt  }
0x52: {  	_ =	shalt  }
0x53: {  	_ =	shalt  }
0x54: {  	_ =	shalt  }
0x55: {  	_ =	shalt  }
0x56: {  	_ =	shalt  }
0x57: {  	_ =	shalt  }
0x58: {  	_ =	shalt  }
0x59: {  	_ =	shalt  }
0x5a: {  	_ =	shalt  }
0x5b: {  	_ =	shalt  }
0x5c: {  	_ =	shalt  }
0x5d: {  	_ =	shalt  }
0x5e: {  	_ =	shalt  }
0x5f: {  	_ =	shalt  }
0x60: {  	_ =	shalt  }
0x61: {  	_ =	shalt  }
0x62: {  	_ =	shalt  }
0x63: {  	_ =	shalt  }
0x64: {  	_ =	shalt  }
0x65: {  	_ =	shalt  }
0x66: {  	_ =	shalt  }
0x67: {  	_ =	shalt  }
0x68: {  	_ =	shalt  }
0x69: {  	_ =	shalt  }
0x6a: {  	_ =	shalt  }
0x6b: {  	_ =	shalt  }
0x6c: {  	_ =	shalt  }
0x6d: {  	_ =	shalt  }
0x6e: {  	_ =	shalt  }
0x6f: {  	_ =	shalt  }
0x70: {  	_ =	shalt  }
0x71: {  	_ =	shalt  }
0x72: {  	_ =	shalt  }
0x73: {  	_ =	shalt  }
0x74: {  	_ =	shalt  }
0x75: {  	_ =	shalt  }
0x76: {  	_ =	shalt  }
0x77: {  	_ =	shalt  }
0x78: {  	_ =	shalt  }
0x79: {  	_ =	shalt  }
0x7a: {  	_ =	shalt  }
0x7b: {  	_ =	shalt  }
0x7c: {  	_ =	shalt  }
0x7d: {  	_ =	shalt  }
0x7e: {  	_ =	shalt  }
0x7f: {  	_ =	shalt  }
0x80: {  	_ =	shalt  }
0x81: {  	_ =	shalt  }
0x82: {  	_ =	shalt  }
0x83: {  	_ =	shalt  }
0x84: {  	_ =	shalt  }
0x85: {  	_ =	shalt  }
0x86: {  	_ =	shalt  }
0x87: {  	_ =	shalt  }
.Lfunc_end0:
.L_simem_size_0:
called_computation_lowered:
.L_overlay_start_0:
0x88: {  	s0 =	sld [smem:$0x3FD9]  }
0x89: {  	s1 =	sld [smem:$0x3FFE];
	_ =	sdelay $0x3  }
0x8a: {  	s0 =	sadd.s32 s1, s0  }
0x8b: {  	[smem:$0x3FC5] =	sst s0  }
0x8c: {  	_ = 	snop  }
0x8d: {  	s0 =	sld [smem:$0x3FD0];
	(tm) =	ssettm $0x1  }
0x8e: {  	s16 =	sld [smem:$0x3FFB];
	_ =	sdelay $0x3  }
0x8f: {  	_ =	strace s16  }
0x90: {  	s1 =	sld [smem:$0x3FFC];
	_ =	sdelay $0x3  }
0x91: {  	_ =	strace s1  }
0x92: {  	s1 =	sld [smem:$0x3FFD];
	_ =	sdelay $0x3  }
0x93: {  	_ =	strace s1  }
0x94: {  	_ =	strace $0x8FFFFFFF  }
0x95: {  	s17 =	sld [smem:$0x3FDB];
	_ =	sdelay $0x1  }
0x96: {  	s2 =	simm.s32 $_scs_section_size  }
0x97: {  	s3 =	simm.s32 $_size__tile_overlayer_lowered;
	s4 =	simm.s32 $_tile_overlayer_lowered  }
0x98: {  	s20 =	simm.s32 $0x1BFF;
	s19 =	sshll.u32 s4, $0x1;
	s1 =	sadd.s32 s2, s17  }
0x99: {  	s5 =	simm.s32 $0x0;
	s18 =	sshll.u32 s3, $0x1;
	s3 =	sadd.s32 s19, s1  }
0x9a: {  	[timem:s5], [sflag:s20] =	dma.local [hbm:s3], s18  }
0x9b: {  	_ =	swait.ge [sflag:s20], s18  }
0x9c: {  	s2 =	ssub.s32 $0x0, s18;
	[sflag:s20] =	ssyncset.done $0x0  }
0x9d: {  	[sflag:s20] =	ssyncadd.s32 s2;
	_ =	sdelay $0x1  }
0x9e: {  	s21 =	simm.s32 $0x1B8B  }
0x9f: {  	_ =	swait.ge [sflag:s21], $0x1  }
0xa0: {  	[sflag:s21] =	ssyncset.done $0x0  }
0xa1: {  	s23 =	simm.s32 $0x1B8E;
	s22 =	sld [smem:$0x3FFE];
	[sflag:s21] =	ssyncadd.s32 $0xFFFFFFFF  }
0xa2: {  	s24 =	simm.s32 $execute0_lowered;
	[smem:$0x3FD2] =	sst s23  }
0xa3: {  	s3 =	sshll.u32 s24, $0x1;
	_ =	strace $0x80000046;
	[dreg:$0x1] =	wrdreg $0xFFFFFFFF  }
0xa4: {  	s25 =	simm.s32 $_size_execute0_lowered;
	s1 =	sadd.s32 s1, s3;
	[dreg:$0x0] =	wrdreg $0x0  }
0xa5: {  	s3 =	sshll.u32 s25, $0x1;
	[dreg:$0x2] =	wrdreg s1  }
0xa6: {  	[dreg:$0x3] =	wrdreg s3  }
0xa7: {  	[dreg:$0x4] =	wrdreg $0xC0  }
0xa8: {  	_ =	task [dreg:s5], $0x5FFFF  }
0xa9: {  	[dreg:$0x1] =	wrdreg $0xFFFFFFFF  }
0xaa: {  	[dreg:$0x0] =	wrdreg $0x60  }
0xab: {  	[dreg:$0x2] =	wrdreg s0  }
0xac: {  	[dreg:$0x3] =	wrdreg s22  }
0xad: {  	[dreg:$0x4] =	wrdreg $0xA800  }
0xae: {  	[dreg:$0x5] =	wrdreg $0x9  }
0xaf: {  	_ =	task.clear_ibuf [dreg:s5], $0x6FFFF;
	_ =	strace $0x90000046  }
0xb0: {  	s26 =	simm.s32 $0x9;
	_ =	strace $0x80000048  }
0xb1: {  	_ =	swait.ge [sflag:s26], $0x1  }
0xb2: {  	[sflag:s26] =	ssyncadd.s32 $0xFFFFFFFF  }
0xb3: {  	_ =	strace $0x90000048  }
0xb4: {  	_ =	sfence  }
0xb5: {  	s28 =	sld [smem:$0x0];
	_ =	sdelay $0x1  }
0xb6: {  	s29 =	srdreg.scid  }
0xb7: {  	s30 =	sshll.u32 s29, $0xD;
	s31 =	sshrl.u32 s29, $0x2  }
0xb8: {  	s2 =	sand.u32 $0x4000, s30;
	s1 =	sand.u32 $0x1, s29;
	s0 =	sadd.s32 s31, s28  }
0xb9: {  	s1 =	sor.u32 s2, s1;
	s0 =	sshll.u32 s0, $0x11  }
0xba: {  	s0 =	sor.u32 s0, s1  }
0xbb: {  	s0 =	sadd.s32 $0x8F2B, s0  }
0xbc: {  	[sflag:s0] =	ssyncadd.remote.s32 $0x1  }
0xbd: {  	_ =	sfence.sel $0xFFFF  }
0xbe: {  	[dreg:$0x0] =	wrdreg $0xFFFFFFFF;
	(pc) =	sbr.abs _section_cstart, $3  }
0xbf: {  	[dreg:$0x1] =	wrdreg $0xFFFFFFFF  }
0xc0: {  	_ =	task.clear_ibuf [dreg:s5], $0x2FFFF;
	_ =	strace $0x9FFFFFFF  }
0xc1: {  	(tm) =	ssettm $0x7FFFFFFF  }
tec
execute0_lowered:
.L_overlay_start_1:
0x0: {  	(tag) =	ssettag $0x1  }
0x1: {  	s3 =	rddreg [dreg:$0x0]  }
0x2: {  	s4 =	rddreg [dreg:$0x1]  }
0x3: {  	s7 =	rddreg [dreg:$0x2];
	s1 =	stileid.u32  }
0x4: {  	s0 =	rddreg [dreg:$0x3];
	s6 =	sand.u32 $0x3, s1  }
0x5: {  	s2 =	simm.s32 $0x0;
	s5 =	sshrl.u32 s1, $0x2;
	s8 =	sshll.u32 s6, $0x8  }
0x6: {  	[smem:$0x7FF] =	sst s2;
	s9 =	sshll.u32 s5, $0xA;
	s3 =	sadd.s32 s3, s8  }
0x7: {  	s22 =	simm.s32 $0x1;
	_ =	strace $0x80000047;
	s3 =	sadd.s32 s9, s3  }
0x8: {  	[tilespmem:s2], [sflag:$0x1] =	stream.linear.gather [hbm4b:s3+s2], $0x800, $0x38;
	[tilespmem:$0xA90] =	vst v63  }
0x9: {  	_ =	swait.ge [sflag:s22], $0x800  }
0xa: {  	[sflag:s22] =	ssyncset.done $0x0  }
0xb: {  	[sflag:s22] =	ssyncadd.s32 $0xFFFFF800  }
0xc: {  	v0 =	vld [tilespmem:$0x0]  }
0xd: {  	v1 =	vld [tilespmem:$0x10]  }
0xe: {  	v2 =	vld [tilespmem:$0x20]  }
0xf: {  	v3 =	vld [tilespmem:$0x30]  }
0x10: {  	v4 =	vld [tilespmem:$0x40]  }
0x11: {  	v5 =	vld [tilespmem:$0x50]  }
0x12: {  	v55 =	vld [tilespmem:$0x60]  }
0x13: {  	v56 =	vld [tilespmem:$0x70]  }
0x14: {  	v58 =	vld [tilespmem:$0x80]  }
0x15: {  	v60 =	vld [tilespmem:$0x90]  }
0x16: {  	v62 =	vld [tilespmem:$0xA0]  }
0x17: {  	v9 =	vld [tilespmem:$0xB0]  }
0x18: {  	v11 =	vld [tilespmem:$0xC0]  }
0x19: {  	v13 =	vld [tilespmem:$0xD0]  }
0x1a: {  	v15 =	vld [tilespmem:$0xE0]  }
0x1b: {  	v17 =	vld [tilespmem:$0xF0]  }
0x1c: {  	v19 =	vld [tilespmem:$0x100]  }
0x1d: {  	v21 =	vld [tilespmem:$0x110];
	vm0 =	veq.s32 v0, $0x66;
	v0 =	vimm.s32 $0x0;
	vm1 =	veq.s32 v1, $0x66  }
0x1e: {  	v23 =	vld [tilespmem:$0x120];
	vm4 =	veq.s32 v2, $0x66;
	vm5 =	veq.s32 v3, $0x66;
	vm6 =	veq.s32 v4, $0x66  }
0x1f: {  	v25 =	vld [tilespmem:$0x130];
	vm7 =	veq.s32 v5, $0x66;
	vm8 =	veq.s32 v55, $0x66;
	vm9 =	veq.s32 v56, $0x66  }
0x20: {  	v27 =	vld [tilespmem:$0x140];
	vm10 =	veq.s32 v58, $0x66;
	vm11 =	veq.s32 v60, $0x66;
	vm12 =	veq.s32 v62, $0x66  }
0x21: {  	v29 =	vld [tilespmem:$0x150];
	vm13 =	veq.s32 v9, $0x66;
	vm14 =	veq.s32 v11, $0x66;
	vm15 =	veq.s32 v13, $0x66  }
0x22: {  	v31 =	vld [tilespmem:$0x160];
	v6 =	vsel vm0, $0x1, v0;
	v7 =	vsel vm1, $0x1, v0;
	v57 =	vsel vm4, $0x1, v0  }
0x23: {  	v33 =	vld [tilespmem:$0x170];
	v59 =	vsel vm5, $0x1, v0;
	v61 =	vsel vm6, $0x1, v0;
	v63 =	vsel vm7, $0x1, v0  }
0x24: {  	v35 =	vld [tilespmem:$0x180];
	v10 =	vsel vm8, $0x1, v0;
	v12 =	vsel vm9, $0x1, v0;
	v14 =	vsel vm10, $0x1, v0  }
0x25: {  	v37 =	vld [tilespmem:$0x190];
	v16 =	vsel vm11, $0x1, v0;
	v18 =	vsel vm12, $0x1, v0;
	v20 =	vsel vm13, $0x1, v0  }
0x26: {  	v22 =	vsel vm14, $0x1, v0;
	v24 =	vsel vm15, $0x1, v0;
	vm4 =	veq.s32 v15, $0x66  }
0x27: {  	vm5 =	veq.s32 v17, $0x66;
	vm6 =	veq.s32 v19, $0x66;
	vm7 =	veq.s32 v21, $0x66  }
0x28: {  	v39 =	vld [tilespmem:$0x1A0];
	vm8 =	veq.s32 v23, $0x66;
	vm9 =	veq.s32 v25, $0x66;
	vm10 =	veq.s32 v27, $0x66  }
0x29: {  	v41 =	vld [tilespmem:$0x1B0];
	vm11 =	veq.s32 v29, $0x66;
	vm12 =	veq.s32 v31, $0x66;
	vm13 =	veq.s32 v33, $0x66  }
0x2a: {  	v43 =	vld [tilespmem:$0x1C0];
	vm14 =	veq.s32 v35, $0x66;
	vm15 =	veq.s32 v37, $0x66;
	v6 =	vadd.s32 v6, v7  }
0x2b: {  	v45 =	vld [tilespmem:$0x1D0];
	v26 =	vsel vm4, $0x1, v0;
	v28 =	vsel vm5, $0x1, v0;
	v6 =	vadd.s32 v57, v6  }
0x2c: {  	v47 =	vld [tilespmem:$0x1E0];
	v30 =	vsel vm6, $0x1, v0;
	v32 =	vsel vm7, $0x1, v0;
	v6 =	vadd.s32 v59, v6  }
0x2d: {  	v49 =	vld [tilespmem:$0x1F0];
	v34 =	vsel vm8, $0x1, v0;
	v36 =	vsel vm9, $0x1, v0;
	v6 =	vadd.s32 v61, v6  }
0x2e: {  	v51 =	vld [tilespmem:$0x200];
	v38 =	vsel vm10, $0x1, v0;
	v40 =	vsel vm11, $0x1, v0;
	v6 =	vadd.s32 v63, v6  }
0x2f: {  	v53 =	vld [tilespmem:$0x210];
	v42 =	vsel vm12, $0x1, v0;
	v44 =	vsel vm13, $0x1, v0;
	v6 =	vadd.s32 v10, v6  }
0x30: {  	v46 =	vsel vm14, $0x1, v0;
	v48 =	vsel vm15, $0x1, v0;
	v6 =	vadd.s32 v12, v6  }
0x31: {  	vm4 =	veq.s32 v39, $0x66;
	vm5 =	veq.s32 v41, $0x66;
	v6 =	vadd.s32 v14, v6  }
0x32: {  	vm6 =	veq.s32 v43, $0x66;
	vm7 =	veq.s32 v45, $0x66;
	v6 =	vadd.s32 v16, v6  }
0x33: {  	v55 =	vld [tilespmem:$0x220];
	vm8 =	veq.s32 v47, $0x66;
	vm9 =	veq.s32 v49, $0x66;
	v6 =	vadd.s32 v18, v6  }
0x34: {  	vm10 =	veq.s32 v51, $0x66;
	vm11 =	veq.s32 v53, $0x66;
	v57 =	vld [tilespmem:$0x230];
	v6 =	vadd.s32 v20, v6  }
0x35: {  	v50 =	vsel vm4, $0x1, v0;
	v52 =	vsel vm5, $0x1, v0;
	v59 =	vld [tilespmem:$0x240];
	v6 =	vadd.s32 v22, v6  }
0x36: {  	v54 =	vsel vm6, $0x1, v0;
	v56 =	vsel vm7, $0x1, v0;
	v61 =	vld [tilespmem:$0x250];
	v6 =	vadd.s32 v24, v6  }
0x37: {  	v58 =	vsel vm8, $0x1, v0;
	v60 =	vsel vm9, $0x1, v0;
	v63 =	vld [tilespmem:$0x260];
	v6 =	vadd.s32 v26, v6  }
0x38: {  	v62 =	vsel vm10, $0x1, v0;
	v9 =	vsel vm11, $0x1, v0;
	v10 =	vld [tilespmem:$0x270];
	v6 =	vadd.s32 v28, v6  }
0x39: {  	vm12 =	veq.s32 v55, $0x66;
	vm13 =	veq.s32 v57, $0x66;
	v12 =	vld [tilespmem:$0x280];
	v6 =	vadd.s32 v30, v6  }
0x3a: {  	v11 =	vsel vm12, $0x1, v0;
	v13 =	vsel vm13, $0x1, v0;
	v14 =	vld [tilespmem:$0x290];
	v6 =	vadd.s32 v32, v6  }
0x3b: {  	vm14 =	veq.s32 v59, $0x66;
	vm15 =	veq.s32 v61, $0x66;
	v6 =	vadd.s32 v34, v6  }
0x3c: {  	v15 =	vsel vm14, $0x1, v0;
	v16 =	vld [tilespmem:$0x2A0];
	v17 =	vsel vm15, $0x1, v0;
	v6 =	vadd.s32 v36, v6  }
0x3d: {  	vm4 =	veq.s32 v63, $0x66;
	v18 =	vld [tilespmem:$0x2B0];
	vm5 =	veq.s32 v10, $0x66;
	v6 =	vadd.s32 v38, v6  }
0x3e: {  	v19 =	vsel vm4, $0x1, v0;
	v20 =	vld [tilespmem:$0x2C0];
	v21 =	vsel vm5, $0x1, v0;
	v6 =	vadd.s32 v40, v6  }
0x3f: {  	v8 =	vld [tilespmem:$0x410];
	vm6 =	veq.s32 v12, $0x66;
	vm7 =	veq.s32 v14, $0x66;
	v6 =	vadd.s32 v42, v6  }
0x40: {  	v22 =	vld [tilespmem:$0x2D0];
	v23 =	vsel vm6, $0x1, v0;
	v25 =	vsel vm7, $0x1, v0;
	v6 =	vadd.s32 v44, v6  }
0x41: {  	v24 =	vld [tilespmem:$0x2E0];
	vm8 =	veq.s32 v16, $0x66;
	v16 =	vimm.s32 $0x32107654;
	v6 =	vadd.s32 v46, v6  }
0x42: {  	v26 =	vld [tilespmem:$0x2F0];
	v27 =	vsel vm8, $0x1, v0;
	vm9 =	veq.s32 v18, $0x66;
	v6 =	vadd.s32 v48, v6  }
0x43: {  	v61 =	vld [tilespmem:$0x3E0];
	v18 =	vunpack.c.l.s4.s8 v16;
	vm10 =	veq.s32 v20, $0x66;
	v6 =	vadd.s32 v50, v6  }
0x44: {  	v28 =	vld [tilespmem:$0x300];
	v29 =	vsel vm9, $0x1, v0;
	v31 =	vsel vm10, $0x1, v0;
	v6 =	vadd.s32 v52, v6  }
0x45: {  	v30 =	vld [tilespmem:$0x310];
	vm11 =	veq.s32 v22, $0x66;
	v22 =	vimm.s32 $0x54761032;
	v6 =	vadd.s32 v54, v6  }
0x46: {  	v32 =	vld [tilespmem:$0x320];
	v33 =	vsel vm11, $0x1, v0;
	vm12 =	veq.s32 v24, $0x66;
	v6 =	vadd.s32 v56, v6  }
0x47: {  	v34 =	vld [tilespmem:$0x330];
	v5 =	vunpack.c.l.s4.s8 v22;
	vm13 =	veq.s32 v26, $0x66;
	v6 =	vadd.s32 v58, v6  }
0x48: {  	v24 =	vld [tilespmem:$0x400];
	v35 =	vsel vm12, $0x1, v0;
	v37 =	vsel vm13, $0x1, v0;
	v6 =	vadd.s32 v60, v6  }
0x49: {  	v36 =	vld [tilespmem:$0x340];
	vm14 =	veq.s32 v28, $0x66;
	v5 =	vunpack.c.0.s8.s32 v5;
	v6 =	vadd.s32 v62, v6  }
0x4a: {  	v38 =	vld [tilespmem:$0x350];
	v39 =	vsel vm14, $0x1, v0;
	vm15 =	veq.s32 v30, $0x66;
	v6 =	vadd.s32 v9, v6  }
0x4b: {  	v40 =	vld [tilespmem:$0x360];
	v41 =	vsel vm15, $0x1, v0;
	vm4 =	veq.s32 v32, $0x66;
	v6 =	vadd.s32 v11, v6  }
0x4c: {  	v42 =	vld [tilespmem:$0x370];
	v43 =	vsel vm4, $0x1, v0;
	vm5 =	veq.s32 v34, $0x66;
	v6 =	vadd.s32 v13, v6  }
0x4d: {  	v44 =	vld [tilespmem:$0x380];
	vm4 =	veq.s32 v61, $0x66;
	v45 =	vsel vm5, $0x1, v0;
	v6 =	vadd.s32 v15, v6  }
0x4e: {  	v34 =	vld [tilespmem:$0x4A0];
	vm6 =	veq.s32 v36, $0x66;
	v14 =	vsel vm4, $0x1, v0;
	v6 =	vadd.s32 v17, v6  }
0x4f: {  	v46 =	vld [tilespmem:$0x390];
	v47 =	vsel vm6, $0x1, v0;
	vm7 =	veq.s32 v38, $0x66;
	v6 =	vadd.s32 v19, v6  }
0x50: {  	v48 =	vld [tilespmem:$0x3A0];
	vm6 =	veq.s32 v24, $0x66;
	v49 =	vsel vm7, $0x1, v0;
	v6 =	vadd.s32 v21, v6  }
0x51: {  	vm8 =	veq.s32 v40, $0x66;
	vm7 =	veq.s32 v8, $0x66;
	v6 =	vadd.s32 v23, v6  }
0x52: {  	v26 =	vld [tilespmem:$0x460];
	v51 =	vsel vm8, $0x1, v0;
	vm9 =	veq.s32 v42, $0x66;
	v6 =	vadd.s32 v25, v6  }
0x53: {  	v52 =	vld [tilespmem:$0x3B0];
	v53 =	vsel vm9, $0x1, v0;
	vm10 =	veq.s32 v44, $0x66;
	v6 =	vadd.s32 v27, v6  }
0x54: {  	v28 =	vld [tilespmem:$0x470];
	vm4 =	veq.s32 v34, $0x66;
	v55 =	vsel vm10, $0x1, v0;
	v6 =	vadd.s32 v29, v6  }
0x55: {  	vm11 =	veq.s32 v46, $0x66;
	v56 =	vld [tilespmem:$0x3C0];
	vm12 =	veq.s32 v48, $0x66;
	v6 =	vadd.s32 v31, v6  }
0x56: {  	v57 =	vsel vm11, $0x1, v0;
	v58 =	vld [tilespmem:$0x3D0];
	v59 =	vsel vm12, $0x1, v0;
	v6 =	vadd.s32 v33, v6  }
0x57: {  	v30 =	vld [tilespmem:$0x480];
	v60 =	vimm.s32 $0xFEDCBA98;
	vm12 =	veq.s32 v26, $0x66;
	v6 =	vadd.s32 v35, v6  }
0x58: {  	vm13 =	veq.s32 v52, $0x66;
	v62 =	vimm.s32 $0x76543210;
	v6 =	vadd.s32 v37, v6  }
0x59: {  	v63 =	vsel vm13, $0x1, v0;
	v7 =	vunpack.c.l.s4.s8 v62;
	v9 =	vld [tilespmem:$0x3F0];
	v6 =	vadd.s32 v39, v6  }
0x5a: {  	v32 =	vld [tilespmem:$0x490];
	vm13 =	veq.s32 v28, $0x66;
	vm14 =	veq.s32 v56, $0x66;
	v6 =	vadd.s32 v41, v6  }
0x5b: {  	v11 =	vsel vm14, $0x1, v0;
	vm15 =	veq.s32 v58, $0x66;
	v6 =	vadd.s32 v43, v6  }
0x5c: {  	v36 =	vld [tilespmem:$0x4B0];
	v12 =	vunpack.c.0.s8.s32 v7;
	vm14 =	veq.s32 v30, $0x66;
	v6 =	vadd.s32 v45, v6  }
0x5d: {  	v38 =	vld [tilespmem:$0x4C0];
	v13 =	vsel vm15, $0x1, v0;
	v15 =	vimm.s32 $0xBA98FEDC;
	v6 =	vadd.s32 v47, v6  }
0x5e: {  	v17 =	vunpack.c.l.s4.s8 v15;
	vm5 =	veq.s32 v9, $0x66;
	v9 =	vld [tilespmem:$0x420];
	v50 =	vadd.s32 v49, v6  }
0x5f: {  	v42 =	vld [tilespmem:$0x4E0];
	vm15 =	veq.s32 v32, $0x66;
	v19 =	vsel vm5, $0x1, v0;
	v4 =	vadd.s32 v51, v50  }
0x60: {  	v2 =	vunpack.c.0.s8.s32 v17;
	v21 =	vimm.s32 $0xDCFE98BA;
	v25 =	vld [tilespmem:$0x450];
	v54 =	vadd.s32 v53, v4  }
0x61: {  	v48 =	vld [tilespmem:$0x510];
	vm5 =	veq.s32 v36, $0x66;
	v6 =	vunpack.c.l.s4.s8 v60;
	v1 =	vadd.s32 v55, v54  }
0x62: {  	v52 =	vld [tilespmem:$0x530];
	v27 =	vsel vm6, $0x1, v0;
	vm6 =	veq.s32 v38, $0x66;
	v1 =	vadd.s32 v57, v1  }
0x63: {  	v56 =	vld [tilespmem:$0x550];
	vm8 =	veq.s32 v9, $0x66;
	v10 =	vunpack.c.0.s8.s32 v6;
	v1 =	vadd.s32 v59, v1  }
0x64: {  	v58 =	vld [tilespmem:$0x560];
	v29 =	vsel vm8, $0x1, v0;
	vm8 =	veq.s32 v42, $0x66;
	v1 =	vadd.s32 v63, v1  }
0x65: {  	vm11 =	veq.s32 v25, $0x66;
	v4 =	vand.u32 $0xF, v10;
	v10 =	vld [tilespmem:$0x430];
	v1 =	vadd.s32 v11, v1  }
0x66: {  	v35 =	vsel vm11, $0x1, v0;
	v6 =	vadd.s32 v13, v1;
	v1 =	vcombine.low v4, v12;
	v12 =	vld [tilespmem:$0x440]  }
0x67: {  	v37 =	vsel vm12, $0x1, v0;
	vm11 =	veq.s32 v48, $0x66;
	v39 =	vsel vm13, $0x1, v0  }
0x68: {  	v62 =	vld [tilespmem:$0x580];
	vm13 =	veq.s32 v52, $0x66;
	v41 =	vsel vm14, $0x1, v0;
	v43 =	vsel vm15, $0x1, v0  }
0x69: {  	v38 =	vld [tilespmem:$0x640];
	vm15 =	veq.s32 v56, $0x66;
	v45 =	vsel vm4, $0x1, v0;
	v13 =	vsel vm7, $0x1, v0  }
0x6a: {  	vm4 =	veq.s32 v58, $0x66;
	v8 =	vadd.s32 v27, v13;
	vm9 =	veq.s32 v10, $0x66  }
0x6b: {  	v60 =	vld [tilespmem:$0x570];
	v8 =	vadd.s32 v29, v8;
	v31 =	vsel vm9, $0x1, v0;
	vm10 =	veq.s32 v12, $0x66  }
0x6c: {  	v24 =	vld [tilespmem:$0x5D0];
	v47 =	vsel vm5, $0x1, v0;
	v8 =	vadd.s32 v31, v8;
	v33 =	vsel vm10, $0x1, v0  }
0x6d: {  	v49 =	vsel vm6, $0x1, v0;
	vm6 =	veq.s32 v62, $0x66;
	v50 =	vld [tilespmem:$0x520];
	v8 =	vadd.s32 v33, v8  }
0x6e: {  	v40 =	vld [tilespmem:$0x4D0];
	v25 =	vsel vm6, $0x1, v0;
	vm6 =	veq.s32 v38, $0x66;
	v8 =	vadd.s32 v35, v8  }
0x6f: {  	v28 =	vld [tilespmem:$0x5F0];
	v53 =	vsel vm8, $0x1, v0;
	v59 =	vsel vm11, $0x1, v0;
	v8 =	vadd.s32 v37, v8  }
0x70: {  	vm5 =	veq.s32 v60, $0x66;
	v3 =	vadd.s32 v14, v6;
	v8 =	vadd.s32 v39, v8  }
0x71: {  	v44 =	vld [tilespmem:$0x4F0];
	v4 =	vunpack.c.0.s8.s32 v18;
	v3 =	vadd.s32 v19, v3;
	v8 =	vadd.s32 v41, v8  }
0x72: {  	s23 =	simm.s32 $0x980;
	v46 =	vld [tilespmem:$0x500];
	vm11 =	veq.s32 v24, $0x66;
	vm12 =	veq.s32 v50, $0x66;
	[tilespmem:$0x980] =	vst v3;
	v8 =	vadd.s32 v43, v8  }
0x73: {  	v63 =	vsel vm13, $0x1, v0;
	v2 =	vcombine.low v4, v2;
	v20 =	vld.idx.msk [tilespmem:v1+s23+$0x0], $0xffff;
	v8 =	vadd.s32 v45, v8  }
0x74: {  	v26 =	vld [tilespmem:$0x5E0];
	vm13 =	veq.s32 v28, $0x66;
	vm7 =	veq.s32 v40, $0x66;
	v8 =	vadd.s32 v47, v8  }
0x75: {  	v54 =	vld [tilespmem:$0x540];
	v51 =	vsel vm7, $0x1, v0;
	v2 =	vand.u32 $0xF, v2;
	v8 =	vadd.s32 v49, v8  }
0x76: {  	v11 =	vimm.s32 $0xEFCDAB89;
	vm9 =	veq.s32 v44, $0x66;
	v8 =	vadd.s32 v51, v8  }
0x77: {  	v16 =	vld [tilespmem:$0x590];
	v55 =	vsel vm9, $0x1, v0;
	vm10 =	veq.s32 v46, $0x66;
	v8 =	vadd.s32 v53, v8  }
0x78: {  	v30 =	vld [tilespmem:$0x600];
	v57 =	vsel vm10, $0x1, v0;
	v3 =	vadd.s32 v20, v3;
	v8 =	vadd.s32 v55, v8  }
0x79: {  	v61 =	vsel vm12, $0x1, v0;
	vm12 =	veq.s32 v26, $0x66;
	[tilespmem:$0x980] =	vst v3;
	v8 =	vadd.s32 v57, v8  }
0x7a: {  	vm14 =	veq.s32 v54, $0x66;
	v4 =	vunpack.c.l.s4.s8 v21;
	v23 =	vld.idx.msk [tilespmem:v2+s23+$0x0], $0xffff;
	v8 =	vadd.s32 v59, v8  }
0x7b: {  	v32 =	vld [tilespmem:$0x610];
	v6 =	vimm.s32 $0x67452301;
	v17 =	vsel vm14, $0x1, v0;
	v8 =	vadd.s32 v61, v8  }
0x7c: {  	v18 =	vld [tilespmem:$0x5A0];
	vm7 =	veq.s32 v16, $0x66;
	v4 =	vunpack.c.0.s8.s32 v4;
	v8 =	vadd.s32 v63, v8  }
0x7d: {  	vm14 =	veq.s32 v30, $0x66;
	v19 =	vsel vm15, $0x1, v0;
	v20 =	vld [tilespmem:$0x5B0];
	v8 =	vadd.s32 v17, v8  }
0x7e: {  	v22 =	vld [tilespmem:$0x5C0];
	v21 =	vsel vm4, $0x1, v0;
	v5 =	vcombine.low v5, v4;
	v8 =	vadd.s32 v19, v8  }
0x7f: {  	v34 =	vld [tilespmem:$0x620];
	v4 =	vadd.s32 v23, v3;
	v23 =	vsel vm5, $0x1, v0;
	v8 =	vadd.s32 v21, v8  }
0x80: {  	v27 =	vsel vm7, $0x1, v0;
	vm15 =	veq.s32 v32, $0x66;
	v8 =	vadd.s32 v23, v8  }
0x81: {  	v40 =	vld [tilespmem:$0x650];
	v6 =	vunpack.c.l.s4.s8 v6;
	vm8 =	veq.s32 v18, $0x66;
	v8 =	vadd.s32 v25, v8  }
0x82: {  	v42 =	vld [tilespmem:$0x660];
	v29 =	vsel vm8, $0x1, v0;
	vm9 =	veq.s32 v20, $0x66;
	v8 =	vadd.s32 v27, v8  }
0x83: {  	v48 =	vld [tilespmem:$0x690];
	vm10 =	veq.s32 v22, $0x66;
	v31 =	vsel vm9, $0x1, v0;
	v8 =	vadd.s32 v29, v8  }
0x84: {  	v50 =	vld [tilespmem:$0x6A0];
	vm4 =	veq.s32 v34, $0x66;
	v33 =	vsel vm10, $0x1, v0;
	v8 =	vadd.s32 v31, v8  }
0x85: {  	v36 =	vld [tilespmem:$0x630];
	v6 =	vunpack.c.0.s8.s32 v6;
	v35 =	vsel vm11, $0x1, v0;
	v8 =	vadd.s32 v33, v8  }
0x86: {  	v52 =	vld [tilespmem:$0x6B0];
	vm7 =	veq.s32 v40, $0x66;
	v37 =	vsel vm12, $0x1, v0;
	v8 =	vadd.s32 v35, v8  }
0x87: {  	v46 =	vld [tilespmem:$0x680];
	vm8 =	veq.s32 v42, $0x66;
	v39 =	vsel vm13, $0x1, v0;
	v8 =	vadd.s32 v37, v8  }
0x88: {  	v54 =	vld [tilespmem:$0x6C0];
	vm11 =	veq.s32 v48, $0x66;
	v41 =	vsel vm14, $0x1, v0;
	v8 =	vadd.s32 v39, v8  }
0x89: {  	v44 =	vld [tilespmem:$0x670];
	vm12 =	veq.s32 v50, $0x66;
	v43 =	vsel vm15, $0x1, v0;
	v8 =	vadd.s32 v41, v8  }
0x8a: {  	v56 =	vld [tilespmem:$0x6D0];
	v45 =	vsel vm4, $0x1, v0;
	vm5 =	veq.s32 v36, $0x66;
	v8 =	vadd.s32 v43, v8  }
0x8b: {  	v58 =	vld [tilespmem:$0x6E0];
	vm13 =	veq.s32 v52, $0x66;
	v47 =	vsel vm5, $0x1, v0;
	v8 =	vadd.s32 v45, v8  }
0x8c: {  	v62 =	vld [tilespmem:$0x700];
	vm10 =	veq.s32 v46, $0x66;
	v49 =	vsel vm6, $0x1, v0;
	v8 =	vadd.s32 v47, v8  }
0x8d: {  	vm14 =	veq.s32 v54, $0x66;
	v51 =	vsel vm7, $0x1, v0;
	v8 =	vadd.s32 v49, v8  }
0x8e: {  	v16 =	vld [tilespmem:$0x710];
	v53 =	vsel vm8, $0x1, v0;
	vm9 =	veq.s32 v44, $0x66;
	v8 =	vadd.s32 v51, v8  }
0x8f: {  	vm15 =	veq.s32 v56, $0x66;
	v55 =	vsel vm9, $0x1, v0;
	v8 =	vadd.s32 v53, v8  }
0x90: {  	vm4 =	veq.s32 v58, $0x66;
	v57 =	vsel vm10, $0x1, v0;
	v8 =	vadd.s32 v55, v8  }
0x91: {  	v60 =	vld [tilespmem:$0x6F0];
	vm6 =	veq.s32 v62, $0x66;
	v59 =	vsel vm11, $0x1, v0;
	v8 =	vadd.s32 v57, v8  }
0x92: {  	v18 =	vld [tilespmem:$0x720];
	v10 =	vsel vm6, $0x1, v0;
	v61 =	vsel vm12, $0x1, v0;
	v8 =	vadd.s32 v59, v8  }
0x93: {  	v22 =	vld [tilespmem:$0x740];
	vm7 =	veq.s32 v16, $0x66;
	v63 =	vsel vm13, $0x1, v0;
	v8 =	vadd.s32 v61, v8  }
0x94: {  	v24 =	vld [tilespmem:$0x750];
	v3 =	vand.u32 $0xF, v5;
	v17 =	vsel vm14, $0x1, v0;
	v8 =	vadd.s32 v63, v8  }
0x95: {  	v20 =	vld [tilespmem:$0x730];
	v5 =	vunpack.c.l.s4.s8 v11;
	v19 =	vsel vm15, $0x1, v0;
	v8 =	vadd.s32 v17, v8  }
0x96: {  	v26 =	vld [tilespmem:$0x760];
	vm5 =	veq.s32 v60, $0x66;
	v21 =	vsel vm4, $0x1, v0;
	v8 =	vadd.s32 v19, v8  }
0x97: {  	vm8 =	veq.s32 v18, $0x66;
	v23 =	vsel vm5, $0x1, v0;
	v8 =	vadd.s32 v21, v8  }
0x98: {  	v28 =	vld [tilespmem:$0x770];
	vm10 =	veq.s32 v22, $0x66;
	v5 =	vunpack.c.0.s8.s32 v5;
	v8 =	vadd.s32 v23, v8  }
0x99: {  	v30 =	vld [tilespmem:$0x780];
	vm11 =	veq.s32 v24, $0x66;
	v25 =	vsel vm7, $0x1, v0;
	v8 =	vadd.s32 v10, v8  }
0x9a: {  	vm9 =	veq.s32 v20, $0x66;
	v27 =	vsel vm8, $0x1, v0;
	v8 =	vadd.s32 v25, v8  }
0x9b: {  	v32 =	vld [tilespmem:$0x790];
	vm12 =	veq.s32 v26, $0x66;
	v29 =	vsel vm9, $0x1, v0;
	v8 =	vadd.s32 v27, v8  }
0x9c: {  	v36 =	vsel vm12, $0x1, v0;
	v31 =	vsel vm10, $0x1, v0;
	v33 =	vld [tilespmem:$0x7A0];
	v8 =	vadd.s32 v29, v8  }
0x9d: {  	vm13 =	veq.s32 v28, $0x66;
	v35 =	vsel vm11, $0x1, v0;
	v37 =	vld [tilespmem:$0x7B0];
	v8 =	vadd.s32 v31, v8  }
0x9e: {  	v5 =	vcombine.low v6, v5;
	vm14 =	veq.s32 v30, $0x66;
	v39 =	vld [tilespmem:$0x7C0];
	v8 =	vadd.s32 v35, v8  }
0x9f: {  	v38 =	vsel vm13, $0x1, v0;
	v40 =	vsel vm14, $0x1, v0;
	v41 =	vld [tilespmem:$0x7D0];
	v8 =	vadd.s32 v36, v8  }
0xa0: {  	vm15 =	veq.s32 v32, $0x66;
	v5 =	vand.u32 $0xF, v5;
	v43 =	vld [tilespmem:$0x7E0];
	v8 =	vadd.s32 v38, v8  }
0xa1: {  	v46 =	vld [tilespmem:$0x7F0];
	[tilespmem:$0x980] =	vst v4;
	v42 =	vsel vm15, $0x1, v0;
	vm4 =	veq.s32 v33, $0x66;
	v8 =	vadd.s32 v40, v8  }
0xa2: {  	v34 =	vld.idx.msk [tilespmem:v3+s23+$0x0], $0xffff;
	v45 =	vsel vm4, $0x1, v0;
	vm5 =	veq.s32 v37, $0x66;
	v44 =	vadd.s32 v42, v8  }
0xa3: {  	vm6 =	veq.s32 v39, $0x66;
	v7 =	vsel vm5, $0x1, v0;
	v6 =	vadd.s32 v45, v44  }
0xa4: {  	vm7 =	veq.s32 v41, $0x66;
	v47 =	vsel vm6, $0x1, v0;
	v6 =	vadd.s32 v7, v6  }
0xa5: {  	vm8 =	veq.s32 v43, $0x66;
	v48 =	vsel vm7, $0x1, v0;
	v6 =	vadd.s32 v47, v6  }
0xa6: {  	vm9 =	veq.s32 v46, $0x66;
	v49 =	vsel vm8, $0x1, v0;
	v6 =	vadd.s32 v48, v6  }
0xa7: {  	v4 =	vadd.s32 v4, v34;
	v0 =	vsel vm9, $0x1, v0;
	v6 =	vadd.s32 v49, v6  }
0xa8: {  	[tilespmem:$0x980] =	vst v4;
	v0 =	vadd.s32 v0, v6  }
0xa9: {  	v50 =	vld.idx.msk [tilespmem:v5+s23+$0x0], $0xffff;
	[tilespmem:$0x980] =	vst v0  }
0xaa: {  	v1 =	vld.idx.msk [tilespmem:v1+s23+$0x0], $0xffff;
	_ =	sdelay $0x4  }
0xab: {  	v0 =	vadd.s32 v1, v0  }
0xac: {  	[tilespmem:$0x980] =	vst v0  }
0xad: {  	v51 =	vld.idx.msk [tilespmem:v2+s23+$0x0], $0xffff;
	_ =	sdelay $0x4  }
0xae: {  	v0 =	vadd.s32 v51, v0  }
0xaf: {  	[tilespmem:$0x980] =	vst v0  }
0xb0: {  	v52 =	vld.idx.msk [tilespmem:v3+s23+$0x0], $0xffff;
	_ =	sdelay $0x4  }
0xb1: {  	v0 =	vadd.s32 v0, v52  }
0xb2: {  	[tilespmem:$0x980] =	vst v0  }
0xb3: {  	v53 =	vld.idx.msk [tilespmem:v5+s23+$0x0], $0xffff;
	_ =	sdelay $0x4  }
0xb4: {  	v54 =	vadd.s32 v4, v50;
	v0 =	vadd.s32 v0, v53  }
0xb5: {  	s24 =	sshll.u32 s1, $0x4;
	v1 =	vadd.s32 v54, v0  }
0xb6: {  	s25 =	simm.s32 $0x900;
	s8 =	sadd.s32 s24, s7;
	[tilespmem:$0x900] =	vst v1  }
0xb7: {  	[spmem:s8] =	stream.linear.scatter [tilespmem:s25], [sflag:$0x1], $0x10, $0x38;
	[tilespmem:$0xA90] =	vst v63  }
0xb8: {  	_ =	swait.ge [sflag:s22], $0x10  }
0xb9: {  	[sflag:s22] =	ssyncset.done $0x0  }
0xba: {  	[sflag:s22] =	ssyncadd.s32 $0xFFFFFFF0  }
0xbb: {  	s26 =	simm.s32 $0x800;
	[bflag:$0x0] =	sbarrier.arrive $0xFFFF  }
0xbc: {  	[tilespmem:s26], [sflag:$0x1] =	stream.linear.gather [spmem:s7], $0x100, $0x38;
	[tilespmem:$0xA90] =	vst v63  }
0xbd: {  	_ =	swait.ge [sflag:s22], $0x100  }
0xbe: {  	[sflag:s22] =	ssyncset.done $0x0  }
0xbf: {  	s28 =	sshll.u32 s5, $0x6;
	[sflag:s22] =	ssyncadd.s32 $0xFFFFFF00  }
0xc0: {  	v55 =	vld [tilespmem:s28+$0x800]  }
0xc1: {  	v56 =	vld [tilespmem:s28+$0x810]  }
0xc2: {  	v57 =	vld [tilespmem:s28+$0x820];
	_ =	sdelay $0x1  }
0xc3: {  	v58 =	vmov s6  }
0xc4: {  	vm10 =	veq.s32 v58, $0x0;
	vm11 =	vgt.u32 v58, $0x1  }
0xc5: {  	vm2 =	veq.s32 v58, $0x3;
	v1 =	vsel vm10, $0x0, v55;
	v3 =	vnsel vm11, $0x0, v56  }
0xc6: {  	v59 =	vnsel vm2, $0x0, v57;
	v1 =	vadd.s32 v1, v3  }
0xc7: {  	s4 =	sadd.s32 $0x400, s4;
	s6 =	sshll.u32 s6, $0x2;
	v1 =	vadd.s32 v59, v1  }
0xc8: {  	s5 =	sshll.u32 s5, $0x4;
	s29 =	sadd.s32 s4, s6;
	v3 =	vadd.s32 v54, v1;
	[tilespmem:$0xA00] =	vst v1  }
0xc9: {  	s30 =	simm.s32 $0xA00;
	s7 =	sadd.s32 s5, s29;
	[tilespmem:$0xA10] =	vst v3  }
0xca: {  	[hbm4b:s7+s2] =	stream.linear.scatter [tilespmem:s30], [sflag:$0x1], $0x20, $0x38;
	[tilespmem:$0xA90] =	vst v63  }
0xcb: {  	_ =	swait.ge [sflag:s22], $0x20  }
0xcc: {  	[sflag:s22] =	ssyncset.done $0x0  }
0xcd: {  	s5 =	sor.u32 s6, s5;
	[sflag:s22] =	ssyncadd.s32 $0xFFFFFFE0  }
0xce: {  	s4 =	sadd.s32 s5, s4;
	[tilespmem:$0xA00] =	vst v54  }
0xcf: {  	s5 =	sadd.s32 $0x40, s4;
	[tilespmem:$0xA10] =	vst v0  }
0xd0: {  	[hbm4b:s5+s2] =	stream.linear.scatter [tilespmem:s30], [sflag:$0x1], $0x20, $0x38;
	[tilespmem:$0xA90] =	vst v63  }
0xd1: {  	vm12 =	vlt.s32 v1, $0x1FC0;
	_ =	swait.ge [sflag:s22], $0x20  }
0xd2: {  	v60 =	vnsel vm12, $0x1FC0, v1;
	vm13 =	vlt.s32 v3, $0x1FC0;
	[sflag:s22] =	ssyncset.done $0x0  }
0xd3: {  	v61 =	vnsel vm13, $0x1FC0, v3;
	v0 =	vshra.s32 v60, $0x5;
	[sflag:s22] =	ssyncadd.s32 $0xFFFFFFE0  }
0xd4: {  	v2 =	vshra.s32 v61, $0x5;
	[tilespmem:$0xA00] =	vst v0  }
0xd5: {  	s31 =	sadd.s32 $0x80, s4;
	[tilespmem:$0xA10] =	vst v2  }
0xd6: {  	[hbm4b:s31+s2] =	stream.linear.scatter [tilespmem:s30], [sflag:$0x1], $0x20, $0x38;
	[tilespmem:$0xA90] =	vst v63  }
0xd7: {  	vm14 =	vlt.s32 v1, $0x1FFF;
	_ =	swait.ge [sflag:s22], $0x20  }
0xd8: {  	v62 =	vnsel vm14, $0x1FFF, v1;
	vm15 =	vlt.s32 v3, $0x1FFF;
	[sflag:s22] =	ssyncset.done $0x0  }
0xd9: {  	v63 =	vnsel vm15, $0x1FFF, v3;
	v0 =	vshra.s32 v62, $0x3;
	[sflag:s22] =	ssyncadd.s32 $0xFFFFFFE0  }
0xda: {  	v1 =	vshra.s32 v63, $0x3;
	[tilespmem:$0xA00] =	vst v0  }
0xdb: {  	s4 =	sadd.s32 $0xC0, s4;
	[tilespmem:$0xA10] =	vst v1  }
0xdc: {  	[hbm4b:s4+s2] =	stream.linear.scatter [tilespmem:s30], [sflag:$0x1], $0x20, $0x38;
	[tilespmem:$0xA90] =	vst v63  }
0xdd: {  	_ =	swait.ge [sflag:s22], $0x20  }
0xde: {  	[sflag:s22] =	ssyncset.done $0x0  }
0xdf: {  	[sflag:s22] =	ssyncadd.s32 $0xFFFFFFE0  }
0xe0: {  	_ =	sfence.sel $0x180000  }
0xe1: {  	[bflag:$0x0] =	sbarrier.arrive $0xFFFF  }
0xe2: {  	p0 =	sne.s32 s1, $0x0;
	_ =	strace $0x90000047  }
0xe3: {  	s0 =	sadd.s32 @!p0 $0x100000, s0;
	[bflag:$0x2] =	sbarrier.arrive $0xFFFF  }
0xe4: {  	[sflag:s0] =	ssyncadd.tile.s32 @!p0 $0x1;
	_ =	shalt  }
.Lfunc_end2:
_tile_overlayer_lowered:
.L_overlay_start_2:
0xe5: {  	(tag) =	ssettag $0x2  }
0xe6: {  	s0 =	rddreg [dreg:$0x0];
	s2 =	stileid.u32  }
0xe7: {  	s1 =	rddreg [dreg:$0x1];
	p0 =	sne.s32 s2, $0x0  }
0xe8: {  	s3 =	rddreg [dreg:$0x2];
	[bflag:$0x3] =	sbarrier.arrive $0xFFFF;
	s2 =	simm.s32 @!p0 $0x1C01  }
0xe9: {  	[timem:s3], [sflag:s2] =	dma.local @!p0 [hbm:s0], s1  }
0xea: {  	s0 =	simm.s32 @!p0 $0x1  }
0xeb: {  	_ =	swait.ge @!p0 [sflag:s0], s1  }
0xec: {  	s1 =	ssub.s32 @!p0 $0x0, s1;
	[sflag:s0] =	ssyncset.done @!p0 $0x0  }
0xed: {  	[sflag:s0] =	ssyncadd.s32 @!p0 s1  }
0xee: {  	[bflag:$0x3] =	sbarrier.arrive $0xFFFF  }
0xef: {  	_ =	shalt  }

</sc_bundles>
